<compile_context>
chip_gen: v7x
topology: tpu7x:2x2x1
jax: 0.10.2.dev20260603
libtpu: 0.0.44.dev20260713+nightly
codegen_flags: <defaults>
</compile_context>

<pallas_src>
import functools

import jax
import jax.numpy as jnp
from jax import lax
from jax.experimental import pallas as pl
from jax.experimental.pallas import tpu as pltpu
from jax.experimental.pallas import tpu_sc as plsc

D = 128
CH = 128
NC = 2
NS = 16
NW = NC * NS
NBUF = 5


def _body(seq_hbm, pos_hbm, w_word_hbm, w_pos_hbm, out_hbm,
          idxw_db, idxp_db, buf_v, w_pos_sh,
          sem_w, sem_a, sem_f, sem_iw, sem_ip):
    n_rounds = seq_hbm.shape[1]
    n_chunks = n_rounds * NBUF
    sid = lax.axis_index("s")
    wid = sid * NC + lax.axis_index("c")
    @pl.when(sid == 0)
    def _stage_pos():
        pltpu.sync_copy(w_pos_hbm, w_pos_sh)
    pltpu.sync_copy(seq_hbm.at[wid, 0], idxw_db.at[0])
    pltpu.sync_copy(pos_hbm.at[wid, 0], idxp_db.at[0])
    plsc.subcore_barrier()
    base = wid * (n_chunks * CH)

    @pl.loop(0, n_rounds)
    def _round(jo):
        db = lax.rem(jo, 2)
        j0 = jo * NBUF
        @pl.when(jo + 1 < n_rounds)
        def _prefetch_idx():
            pltpu.async_copy(seq_hbm.at[wid, jo + 1], idxw_db.at[1 - db],
                             sem_iw)
            pltpu.async_copy(pos_hbm.at[wid, jo + 1], idxp_db.at[1 - db],
                             sem_ip)
        for k in range(NBUF):
            @pl.when(jo > 0)
            def _wait_flush():
                pltpu.make_async_copy(
                    buf_v.at[k],
                    out_hbm.at[pl.ds(base + (j0 - NBUF + k) * CH, CH)],
                    sem_f.at[k]).wait()
            pltpu.async_copy(w_word_hbm.at[idxw_db.at[db, k]],
                             buf_v.at[k], sem_w.at[k])
        for k in range(NBUF):
            pltpu.make_async_copy(w_word_hbm.at[idxw_db.at[db, k]],
                                  buf_v.at[k], sem_w.at[k]).wait()
            pltpu.async_copy(w_pos_sh.at[idxp_db.at[db, k]],
                             buf_v.at[k], sem_a.at[k], add=True)
        for k in range(NBUF):
            pltpu.make_async_copy(w_pos_sh.at[idxp_db.at[db, k]],
                                  buf_v.at[k], sem_a.at[k]).wait()
            pltpu.async_copy(buf_v.at[k],
                             out_hbm.at[pl.ds(base + (j0 + k) * CH, CH)],
                             sem_f.at[k])
        @pl.when(jo + 1 < n_rounds)
        def _wait_idx():
            pltpu.make_async_copy(seq_hbm.at[wid, 0], idxw_db.at[1 - db],
                                  sem_iw).wait()
            pltpu.make_async_copy(pos_hbm.at[wid, 0], idxp_db.at[1 - db],
                                  sem_ip).wait()

    for k in range(NBUF):
        pltpu.make_async_copy(
            buf_v.at[k],
            out_hbm.at[pl.ds(base + (n_chunks - NBUF + k) * CH, CH)],
            sem_f.at[k]).wait()


def kernel(src_seq, src_pos, W_word, W_pos):
    B, S = src_seq.shape
    total = B * S
    assert total % (NW * NBUF * CH) == 0
    n_rounds = total // (NW * NBUF * CH)

    seq = src_seq.reshape(NW, n_rounds, NBUF, CH).astype(jnp.int32)
    pos = src_pos.reshape(NW, n_rounds, NBUF, CH).astype(jnp.int32)

    mesh = plsc.VectorSubcoreMesh(core_axis_name="c", subcore_axis_name="s")
    run = pl.kernel(
        functools.partial(_body),
        out_type=jax.ShapeDtypeStruct((total, D), jnp.float32),
        mesh=mesh,
        scratch_types=[
            pltpu.VMEM((2, NBUF, CH), jnp.int32),
            pltpu.VMEM((2, NBUF, CH), jnp.int32),
            pltpu.VMEM((NBUF, CH, D), jnp.float32),
            pltpu.VMEM_SHARED(W_pos.shape, jnp.float32),
            pltpu.SemaphoreType.DMA((NBUF,)),
            pltpu.SemaphoreType.DMA((NBUF,)),
            pltpu.SemaphoreType.DMA((NBUF,)),
            pltpu.SemaphoreType.DMA,
            pltpu.SemaphoreType.DMA,
        ],
    )
    out = run(seq, pos, W_word, W_pos)
    return (out.reshape(B, S, D), src_seq)

# --- scband reference (transcript-rebuilt; emitter-appended) ---
"""Pipeline reference for scband-embedder-40973988004210 (READ-ONLY COPY).

The authoritative reference and input builder live on the scoring server;
editing this copy changes nothing except your own understanding.
"""

import jax, jax.numpy as jnp
import numpy as np

N_VOCAB = 100000
N_POSITION = 201  # n_max_seq + 1
D_MODEL = 128
BATCH = 4096
SEQ = 200
PAD = 0


def position_encoding_init(n_position, d_pos_vec):
    position_enc = np.array([
        [pos / np.power(10000, 2 * (j // 2) / d_pos_vec) for j in range(d_pos_vec)]
        if pos != 0 else np.zeros(d_pos_vec)
        for pos in range(n_position)
    ])
    position_enc[1:, 0::2] = np.sin(position_enc[1:, 0::2])
    position_enc[1:, 1::2] = np.cos(position_enc[1:, 1::2])
    return jnp.asarray(position_enc, dtype=jnp.float32)


def setup_inputs(seed: int = 0) -> dict:
    key = jax.random.key(seed)
    k1, k2, k3 = jax.random.split(key, 3)
    src_seq = jax.random.randint(k1, (BATCH, SEQ), 0, N_VOCAB)
    src_pos = jax.random.randint(k2, (BATCH, SEQ), 0, N_POSITION)
    # word embedding table; padding_idx row zeroed (as nn.Embedding does)
    W_word = jax.random.normal(k3, (N_VOCAB, D_MODEL), dtype=jnp.float32)
    W_word = W_word.at[PAD].set(0.0)
    # position encoding table, sinusoid init (overwrites default init)
    W_pos = position_encoding_init(N_POSITION, D_MODEL)
    return {"src_seq": src_seq, "src_pos": src_pos, "W_word": W_word, "W_pos": W_pos}


def reference(src_seq, src_pos, W_word, W_pos):
    # InputSequenceNormalizer: src_seq is 2D int, passes through unchanged
    src_seq_for_masking = src_seq
    # word embedding lookup
    enc_input = jnp.take(W_word, src_seq, axis=0)
    # position encoding lookup (encode_position=True, src_pos provided)
    enc_input = enc_input + jnp.take(W_pos, src_pos, axis=0)
    return (enc_input, src_seq_for_masking)

if __name__ == "__main__":
    import jax
    _d = setup_inputs()
    print(jax.jit(kernel)(*tuple(_d.values())))

</pallas_src>

<mosaic_0001>
#map = affine_map<(d0, d1) -> (0, 0, 0, 0)>
#map1 = affine_map<(d0, d1) -> (0, 0)>
module attributes {stable_mosaic.version = 14 : i64} {
  func.func @_body(%arg0: i32, %arg1: i32, %arg2: memref<32x40x5x128xi32, #tpu.memory_space<hbm>>, %arg3: memref<32x40x5x128xi32, #tpu.memory_space<hbm>>, %arg4: memref<100000x128xf32, #tpu.memory_space<hbm>>, %arg5: memref<201x128xf32, #tpu.memory_space<hbm>>, %arg6: memref<819200x128xf32, #tpu.memory_space<hbm>>, %arg7: memref<2x5x128xi32, #tpu.memory_space<vmem>>, %arg8: memref<2x5x128xi32, #tpu.memory_space<vmem>>, %arg9: memref<5x128x128xf32, #tpu.memory_space<vmem>>, %arg10: memref<201x128xf32, #tpu.memory_space<vmem_shared>>, %arg11: memref<5x!tpu.dma_semaphore, #tpu.memory_space<semaphore_mem>>, %arg12: memref<5x!tpu.dma_semaphore, #tpu.memory_space<semaphore_mem>>, %arg13: memref<5x!tpu.dma_semaphore, #tpu.memory_space<semaphore_mem>>, %arg14: memref<!tpu.dma_semaphore, #tpu.memory_space<semaphore_mem>>, %arg15: memref<!tpu.dma_semaphore, #tpu.memory_space<semaphore_mem>>) attributes {dimension_semantics = [#tpu.dimension_semantics<core_parallel>, #tpu.dimension_semantics<subcore_parallel>], iteration_bounds = array<i64: 2, 16>, scalar_prefetch = 0 : i64, scratch_operands = 9 : i64, tpu.core_type = #tpu.core_type<sc_vector_subcore>, window_params = [{transform_indices = #map}, {transform_indices = #map}, {transform_indices = #map1}, {transform_indices = #map1}, {transform_indices = #map1}]} {
    %mul3A = arith.constant 2 : i32
    %mul3A_0 = arith.muli %arg1, %mul3A : i32
    %add3A = arith.addi %mul3A_0, %arg0 : i32
    %eq3A = arith.constant 0 : i32
    %eq3A_1 = arith.cmpi eq, %arg1, %eq3A : i32
    %convert_element_type3A = arith.extui %eq3A_1 : i1 to i32
    %cond3A = arith.constant 0 : i32
    %cond3A_2 = arith.cmpi ne, %convert_element_type3A, %cond3A : i32
    scf.if %cond3A_2 {
      "tpu.region"() ({
        %run_scoped3A_101 = tpu.sem_alloc : memref<!tpu.dma_semaphore, #tpu.memory_space<semaphore_mem>>
        tpu.enqueue_dma source(%arg5 : memref<201x128xf32, #tpu.memory_space<hbm>>) target(%arg10 : memref<201x128xf32, #tpu.memory_space<vmem_shared>>) target_semaphore(%run_scoped3A_101 : memref<!tpu.dma_semaphore, #tpu.memory_space<semaphore_mem>>)
        tpu.wait_dma2 semaphore(%run_scoped3A_101 : memref<!tpu.dma_semaphore, #tpu.memory_space<semaphore_mem>>) src(%arg5 : memref<201x128xf32, #tpu.memory_space<hbm>>) dst(%arg10 : memref<201x128xf32, #tpu.memory_space<vmem_shared>>)
        tpu.yield
      }) : () -> ()
    } else {
    }
    %run_scoped3A = arith.constant 0 : i32
    %run_scoped3A_3 = arith.constant 0 : i32
    "tpu.region"() ({
      %run_scoped3A_101 = tpu.sem_alloc : memref<!tpu.dma_semaphore, #tpu.memory_space<semaphore_mem>>
      %dma_start3A = arith.constant 0 : i32
      %dma_start3A_102 = arith.constant 0 : i32
      %dma_start3A_103 = tpu.memref_slice %arg7[%run_scoped3A_3, %dma_start3A, %dma_start3A_102] : memref<2x5x128xi32, #tpu.memory_space<vmem>> -> memref<1x5x128xi32, #tpu.memory_space<vmem>>
      %dma_start3A_104 = tpu.memref_squeeze %dma_start3A_103 : memref<1x5x128xi32, #tpu.memory_space<vmem>> -> memref<5x128xi32, #tpu.memory_space<vmem>>
      %dma_start3A_105 = arith.constant 0 : i32
      %dma_start3A_106 = arith.constant 0 : i32
      %dma_start3A_107 = tpu.memref_slice %arg2[%add3A, %run_scoped3A, %dma_start3A_105, %dma_start3A_106] : memref<32x40x5x128xi32, #tpu.memory_space<hbm>> -> memref<1x1x5x128xi32, #tpu.memory_space<hbm>>
      %dma_start3A_108 = tpu.memref_squeeze %dma_start3A_107 : memref<1x1x5x128xi32, #tpu.memory_space<hbm>> -> memref<5x128xi32, #tpu.memory_space<hbm>>
      %dma_start3A_109 = arith.constant 0 : i32
      %dma_start3A_110 = arith.constant 0 : i32
      %dma_start3A_111 = tpu.memref_slice %arg7[%run_scoped3A_3, %dma_start3A_109, %dma_start3A_110] : memref<2x5x128xi32, #tpu.memory_space<vmem>> -> memref<1x5x128xi32, #tpu.memory_space<vmem>>
      %dma_start3A_112 = tpu.memref_squeeze %dma_start3A_111 : memref<1x5x128xi32, #tpu.memory_space<vmem>> -> memref<5x128xi32, #tpu.memory_space<vmem>>
      %dma_start3A_113 = arith.constant 0 : i32
      %dma_start3A_114 = arith.constant 0 : i32
      %dma_start3A_115 = tpu.memref_slice %arg2[%add3A, %run_scoped3A, %dma_start3A_113, %dma_start3A_114] : memref<32x40x5x128xi32, #tpu.memory_space<hbm>> -> memref<1x1x5x128xi32, #tpu.memory_space<hbm>>
      %dma_start3A_116 = tpu.memref_squeeze %dma_start3A_115 : memref<1x1x5x128xi32, #tpu.memory_space<hbm>> -> memref<5x128xi32, #tpu.memory_space<hbm>>
      tpu.enqueue_dma source(%dma_start3A_116 : memref<5x128xi32, #tpu.memory_space<hbm>>) target(%dma_start3A_112 : memref<5x128xi32, #tpu.memory_space<vmem>>) target_semaphore(%run_scoped3A_101 : memref<!tpu.dma_semaphore, #tpu.memory_space<semaphore_mem>>)
      %dma_wait3A_117 = arith.constant 0 : i32
      %dma_wait3A_118 = arith.constant 0 : i32
      %dma_wait3A_119 = tpu.memref_slice %arg7[%run_scoped3A_3, %dma_wait3A_117, %dma_wait3A_118] : memref<2x5x128xi32, #tpu.memory_space<vmem>> -> memref<1x5x128xi32, #tpu.memory_space<vmem>>
      %dma_wait3A_120 = tpu.memref_squeeze %dma_wait3A_119 : memref<1x5x128xi32, #tpu.memory_space<vmem>> -> memref<5x128xi32, #tpu.memory_space<vmem>>
      %dma_wait3A_121 = arith.constant 0 : i32
      %dma_wait3A_122 = arith.constant 0 : i32
      %dma_wait3A_123 = tpu.memref_slice %arg2[%add3A, %run_scoped3A, %dma_wait3A_121, %dma_wait3A_122] : memref<32x40x5x128xi32, #tpu.memory_space<hbm>> -> memref<1x1x5x128xi32, #tpu.memory_space<hbm>>
      %dma_wait3A_124 = tpu.memref_squeeze %dma_wait3A_123 : memref<1x1x5x128xi32, #tpu.memory_space<hbm>> -> memref<5x128xi32, #tpu.memory_space<hbm>>
      %dma_wait3A_125 = arith.constant 0 : i32
      %dma_wait3A_126 = arith.constant 0 : i32
      %dma_wait3A_127 = tpu.memref_slice %arg7[%run_scoped3A_3, %dma_wait3A_125, %dma_wait3A_126] : memref<2x5x128xi32, #tpu.memory_space<vmem>> -> memref<1x5x128xi32, #tpu.memory_space<vmem>>
      %dma_wait3A_128 = tpu.memref_squeeze %dma_wait3A_127 : memref<1x5x128xi32, #tpu.memory_space<vmem>> -> memref<5x128xi32, #tpu.memory_space<vmem>>
      %dma_wait3A_129 = arith.constant 0 : i32
      %dma_wait3A_130 = arith.constant 0 : i32
      %dma_wait3A_131 = tpu.memref_slice %arg2[%add3A, %run_scoped3A, %dma_wait3A_129, %dma_wait3A_130] : memref<32x40x5x128xi32, #tpu.memory_space<hbm>> -> memref<1x1x5x128xi32, #tpu.memory_space<hbm>>
      %dma_wait3A_132 = tpu.memref_squeeze %dma_wait3A_131 : memref<1x1x5x128xi32, #tpu.memory_space<hbm>> -> memref<5x128xi32, #tpu.memory_space<hbm>>
      tpu.wait_dma2 semaphore(%run_scoped3A_101 : memref<!tpu.dma_semaphore, #tpu.memory_space<semaphore_mem>>) src(%dma_wait3A_132 : memref<5x128xi32, #tpu.memory_space<hbm>>) dst(%dma_wait3A_128 : memref<5x128xi32, #tpu.memory_space<vmem>>)
      tpu.yield
    }) : () -> ()
    %run_scoped3A_4 = arith.constant 0 : i32
    %run_scoped3A_5 = arith.constant 0 : i32
    "tpu.region"() ({
      %run_scoped3A_101 = tpu.sem_alloc : memref<!tpu.dma_semaphore, #tpu.memory_space<semaphore_mem>>
      %dma_start3A = arith.constant 0 : i32
      %dma_start3A_102 = arith.constant 0 : i32
      %dma_start3A_103 = tpu.memref_slice %arg8[%run_scoped3A_5, %dma_start3A, %dma_start3A_102] : memref<2x5x128xi32, #tpu.memory_space<vmem>> -> memref<1x5x128xi32, #tpu.memory_space<vmem>>
      %dma_start3A_104 = tpu.memref_squeeze %dma_start3A_103 : memref<1x5x128xi32, #tpu.memory_space<vmem>> -> memref<5x128xi32, #tpu.memory_space<vmem>>
      %dma_start3A_105 = arith.constant 0 : i32
      %dma_start3A_106 = arith.constant 0 : i32
      %dma_start3A_107 = tpu.memref_slice %arg3[%add3A, %run_scoped3A_4, %dma_start3A_105, %dma_start3A_106] : memref<32x40x5x128xi32, #tpu.memory_space<hbm>> -> memref<1x1x5x128xi32, #tpu.memory_space<hbm>>
      %dma_start3A_108 = tpu.memref_squeeze %dma_start3A_107 : memref<1x1x5x128xi32, #tpu.memory_space<hbm>> -> memref<5x128xi32, #tpu.memory_space<hbm>>
      %dma_start3A_109 = arith.constant 0 : i32
      %dma_start3A_110 = arith.constant 0 : i32
      %dma_start3A_111 = tpu.memref_slice %arg8[%run_scoped3A_5, %dma_start3A_109, %dma_start3A_110] : memref<2x5x128xi32, #tpu.memory_space<vmem>> -> memref<1x5x128xi32, #tpu.memory_space<vmem>>
      %dma_start3A_112 = tpu.memref_squeeze %dma_start3A_111 : memref<1x5x128xi32, #tpu.memory_space<vmem>> -> memref<5x128xi32, #tpu.memory_space<vmem>>
      %dma_start3A_113 = arith.constant 0 : i32
      %dma_start3A_114 = arith.constant 0 : i32
      %dma_start3A_115 = tpu.memref_slice %arg3[%add3A, %run_scoped3A_4, %dma_start3A_113, %dma_start3A_114] : memref<32x40x5x128xi32, #tpu.memory_space<hbm>> -> memref<1x1x5x128xi32, #tpu.memory_space<hbm>>
      %dma_start3A_116 = tpu.memref_squeeze %dma_start3A_115 : memref<1x1x5x128xi32, #tpu.memory_space<hbm>> -> memref<5x128xi32, #tpu.memory_space<hbm>>
      tpu.enqueue_dma source(%dma_start3A_116 : memref<5x128xi32, #tpu.memory_space<hbm>>) target(%dma_start3A_112 : memref<5x128xi32, #tpu.memory_space<vmem>>) target_semaphore(%run_scoped3A_101 : memref<!tpu.dma_semaphore, #tpu.memory_space<semaphore_mem>>)
      %dma_wait3A_117 = arith.constant 0 : i32
      %dma_wait3A_118 = arith.constant 0 : i32
      %dma_wait3A_119 = tpu.memref_slice %arg8[%run_scoped3A_5, %dma_wait3A_117, %dma_wait3A_118] : memref<2x5x128xi32, #tpu.memory_space<vmem>> -> memref<1x5x128xi32, #tpu.memory_space<vmem>>
      %dma_wait3A_120 = tpu.memref_squeeze %dma_wait3A_119 : memref<1x5x128xi32, #tpu.memory_space<vmem>> -> memref<5x128xi32, #tpu.memory_space<vmem>>
      %dma_wait3A_121 = arith.constant 0 : i32
      %dma_wait3A_122 = arith.constant 0 : i32
      %dma_wait3A_123 = tpu.memref_slice %arg3[%add3A, %run_scoped3A_4, %dma_wait3A_121, %dma_wait3A_122] : memref<32x40x5x128xi32, #tpu.memory_space<hbm>> -> memref<1x1x5x128xi32, #tpu.memory_space<hbm>>
      %dma_wait3A_124 = tpu.memref_squeeze %dma_wait3A_123 : memref<1x1x5x128xi32, #tpu.memory_space<hbm>> -> memref<5x128xi32, #tpu.memory_space<hbm>>
      %dma_wait3A_125 = arith.constant 0 : i32
      %dma_wait3A_126 = arith.constant 0 : i32
      %dma_wait3A_127 = tpu.memref_slice %arg8[%run_scoped3A_5, %dma_wait3A_125, %dma_wait3A_126] : memref<2x5x128xi32, #tpu.memory_space<vmem>> -> memref<1x5x128xi32, #tpu.memory_space<vmem>>
      %dma_wait3A_128 = tpu.memref_squeeze %dma_wait3A_127 : memref<1x5x128xi32, #tpu.memory_space<vmem>> -> memref<5x128xi32, #tpu.memory_space<vmem>>
      %dma_wait3A_129 = arith.constant 0 : i32
      %dma_wait3A_130 = arith.constant 0 : i32
      %dma_wait3A_131 = tpu.memref_slice %arg3[%add3A, %run_scoped3A_4, %dma_wait3A_129, %dma_wait3A_130] : memref<32x40x5x128xi32, #tpu.memory_space<hbm>> -> memref<1x1x5x128xi32, #tpu.memory_space<hbm>>
      %dma_wait3A_132 = tpu.memref_squeeze %dma_wait3A_131 : memref<1x1x5x128xi32, #tpu.memory_space<hbm>> -> memref<5x128xi32, #tpu.memory_space<hbm>>
      tpu.wait_dma2 semaphore(%run_scoped3A_101 : memref<!tpu.dma_semaphore, #tpu.memory_space<semaphore_mem>>) src(%dma_wait3A_132 : memref<5x128xi32, #tpu.memory_space<hbm>>) dst(%dma_wait3A_128 : memref<5x128xi32, #tpu.memory_space<vmem>>)
      tpu.yield
    }) : () -> ()
    %barrier3A = arith.constant 0 : index
    tpu.barrier barrier_id(%barrier3A)
    %mul3A_6 = arith.constant 25600 : i32
    %mul3A_7 = arith.muli %add3A, %mul3A_6 : i32
    %scan3A = arith.constant 0 : i32
    %scan3A_8 = arith.constant 40 : i32
    %scan3A_9 = arith.addi %scan3A, %scan3A_8 : i32
    %scan3A_10 = arith.constant 1 : i32
    scf.for %scan3A_101 = %scan3A to %scan3A_9 step %scan3A_10  : i32 {
      %mul3A_102 = arith.constant 1 : i32
      %mul3A_103 = arith.muli %scan3A_101, %mul3A_102 : i32
      %add3A_104 = arith.constant 0 : i32
      %add3A_105 = arith.addi %add3A_104, %mul3A_103 : i32
      %rem3A = arith.constant 2 : i32
      %rem3A_106 = arith.remsi %add3A_105, %rem3A : i32
      %mul3A_107 = arith.constant 5 : i32
      %mul3A_108 = arith.muli %add3A_105, %mul3A_107 : i32
      %add3A_109 = arith.constant 1 : i32
      %add3A_110 = arith.addi %add3A_105, %add3A_109 : i32
      %lt3A = arith.constant 40 : i32
      %lt3A_111 = arith.cmpi slt, %add3A_110, %lt3A : i32
      %convert_element_type3A_112 = arith.extui %lt3A_111 : i1 to i32
      %cond3A_113 = arith.constant 0 : i32
      %cond3A_114 = arith.cmpi ne, %convert_element_type3A_112, %cond3A_113 : i32
      scf.if %cond3A_114 {
        %add3A_550 = arith.constant 1 : i32
        %add3A_551 = arith.addi %add3A_105, %add3A_550 : i32
        %sub3A = arith.constant 1 : i32
        %sub3A_552 = arith.subi %sub3A, %rem3A_106 : i32
        %dma_start3A_553 = arith.constant 0 : i32
        %dma_start3A_554 = arith.constant 0 : i32
        %dma_start3A_555 = tpu.memref_slice %arg7[%sub3A_552, %dma_start3A_553, %dma_start3A_554] : memref<2x5x128xi32, #tpu.memory_space<vmem>> -> memref<1x5x128xi32, #tpu.memory_space<vmem>>
        %dma_start3A_556 = tpu.memref_squeeze %dma_start3A_555 : memref<1x5x128xi32, #tpu.memory_space<vmem>> -> memref<5x128xi32, #tpu.memory_space<vmem>>
        %dma_start3A_557 = arith.constant 0 : i32
        %dma_start3A_558 = arith.constant 0 : i32
        %dma_start3A_559 = tpu.memref_slice %arg2[%add3A, %add3A_551, %dma_start3A_557, %dma_start3A_558] : memref<32x40x5x128xi32, #tpu.memory_space<hbm>> -> memref<1x1x5x128xi32, #tpu.memory_space<hbm>>
        %dma_start3A_560 = tpu.memref_squeeze %dma_start3A_559 : memref<1x1x5x128xi32, #tpu.memory_space<hbm>> -> memref<5x128xi32, #tpu.memory_space<hbm>>
        %dma_start3A_561 = arith.constant 0 : i32
        %dma_start3A_562 = arith.constant 0 : i32
        %dma_start3A_563 = tpu.memref_slice %arg7[%sub3A_552, %dma_start3A_561, %dma_start3A_562] : memref<2x5x128xi32, #tpu.memory_space<vmem>> -> memref<1x5x128xi32, #tpu.memory_space<vmem>>
        %dma_start3A_564 = tpu.memref_squeeze %dma_start3A_563 : memref<1x5x128xi32, #tpu.memory_space<vmem>> -> memref<5x128xi32, #tpu.memory_space<vmem>>
        %dma_start3A_565 = arith.constant 0 : i32
        %dma_start3A_566 = arith.constant 0 : i32
        %dma_start3A_567 = tpu.memref_slice %arg2[%add3A, %add3A_551, %dma_start3A_565, %dma_start3A_566] : memref<32x40x5x128xi32, #tpu.memory_space<hbm>> -> memref<1x1x5x128xi32, #tpu.memory_space<hbm>>
        %dma_start3A_568 = tpu.memref_squeeze %dma_start3A_567 : memref<1x1x5x128xi32, #tpu.memory_space<hbm>> -> memref<5x128xi32, #tpu.memory_space<hbm>>
        tpu.enqueue_dma source(%dma_start3A_568 : memref<5x128xi32, #tpu.memory_space<hbm>>) target(%dma_start3A_564 : memref<5x128xi32, #tpu.memory_space<vmem>>) target_semaphore(%arg14 : memref<!tpu.dma_semaphore, #tpu.memory_space<semaphore_mem>>)
        %add3A_569 = arith.constant 1 : i32
        %add3A_570 = arith.addi %add3A_105, %add3A_569 : i32
        %sub3A_571 = arith.constant 1 : i32
        %sub3A_572 = arith.subi %sub3A_571, %rem3A_106 : i32
        %dma_start3A_573 = arith.constant 0 : i32
        %dma_start3A_574 = arith.constant 0 : i32
        %dma_start3A_575 = tpu.memref_slice %arg8[%sub3A_572, %dma_start3A_573, %dma_start3A_574] : memref<2x5x128xi32, #tpu.memory_space<vmem>> -> memref<1x5x128xi32, #tpu.memory_space<vmem>>
        %dma_start3A_576 = tpu.memref_squeeze %dma_start3A_575 : memref<1x5x128xi32, #tpu.memory_space<vmem>> -> memref<5x128xi32, #tpu.memory_space<vmem>>
        %dma_start3A_577 = arith.constant 0 : i32
        %dma_start3A_578 = arith.constant 0 : i32
        %dma_start3A_579 = tpu.memref_slice %arg3[%add3A, %add3A_570, %dma_start3A_577, %dma_start3A_578] : memref<32x40x5x128xi32, #tpu.memory_space<hbm>> -> memref<1x1x5x128xi32, #tpu.memory_space<hbm>>
        %dma_start3A_580 = tpu.memref_squeeze %dma_start3A_579 : memref<1x1x5x128xi32, #tpu.memory_space<hbm>> -> memref<5x128xi32, #tpu.memory_space<hbm>>
        %dma_start3A_581 = arith.constant 0 : i32
        %dma_start3A_582 = arith.constant 0 : i32
        %dma_start3A_583 = tpu.memref_slice %arg8[%sub3A_572, %dma_start3A_581, %dma_start3A_582] : memref<2x5x128xi32, #tpu.memory_space<vmem>> -> memref<1x5x128xi32, #tpu.memory_space<vmem>>
        %dma_start3A_584 = tpu.memref_squeeze %dma_start3A_583 : memref<1x5x128xi32, #tpu.memory_space<vmem>> -> memref<5x128xi32, #tpu.memory_space<vmem>>
        %dma_start3A_585 = arith.constant 0 : i32
        %dma_start3A_586 = arith.constant 0 : i32
        %dma_start3A_587 = tpu.memref_slice %arg3[%add3A, %add3A_570, %dma_start3A_585, %dma_start3A_586] : memref<32x40x5x128xi32, #tpu.memory_space<hbm>> -> memref<1x1x5x128xi32, #tpu.memory_space<hbm>>
        %dma_start3A_588 = tpu.memref_squeeze %dma_start3A_587 : memref<1x1x5x128xi32, #tpu.memory_space<hbm>> -> memref<5x128xi32, #tpu.memory_space<hbm>>
        tpu.enqueue_dma source(%dma_start3A_588 : memref<5x128xi32, #tpu.memory_space<hbm>>) target(%dma_start3A_584 : memref<5x128xi32, #tpu.memory_space<vmem>>) target_semaphore(%arg15 : memref<!tpu.dma_semaphore, #tpu.memory_space<semaphore_mem>>)
      } else {
      }
      %gt3A = arith.constant 0 : i32
      %gt3A_115 = arith.cmpi sgt, %add3A_105, %gt3A : i32
      %convert_element_type3A_116 = arith.extui %gt3A_115 : i1 to i32
      %cond3A_117 = arith.constant 0 : i32
      %cond3A_118 = arith.cmpi ne, %convert_element_type3A_116, %cond3A_117 : i32
      scf.if %cond3A_118 {
        %sub3A = arith.constant 5 : i32
        %sub3A_550 = arith.subi %mul3A_108, %sub3A : i32
        %add3A_551 = arith.constant 0 : i32
        %add3A_552 = arith.addi %sub3A_550, %add3A_551 : i32
        %mul3A_553 = arith.constant 128 : i32
        %mul3A_554 = arith.muli %add3A_552, %mul3A_553 : i32
        %add3A_555 = arith.addi %mul3A_7, %mul3A_554 : i32
        %dma_wait3A_556 = arith.constant 0 : i32
        %dma_wait3A_557 = arith.constant 0 : i32
        %dma_wait3A_558 = arith.constant 0 : i32
        %dma_wait3A_559 = arith.constant 0 : i32
        %dma_wait3A_560 = tpu.memref_slice %arg9[%dma_wait3A_556, %dma_wait3A_558, %dma_wait3A_559] : memref<5x128x128xf32, #tpu.memory_space<vmem>> -> memref<1x128x128xf32, #tpu.memory_space<vmem>>
        %dma_wait3A_561 = tpu.memref_squeeze %dma_wait3A_560 : memref<1x128x128xf32, #tpu.memory_space<vmem>> -> memref<128x128xf32, #tpu.memory_space<vmem>>
        %dma_wait3A_562 = arith.constant 0 : i32
        %dma_wait3A_563 = tpu.memref_slice %arg6[%add3A_555, %dma_wait3A_562] : memref<819200x128xf32, #tpu.memory_space<hbm>> -> memref<128x128xf32, #tpu.memory_space<hbm>>
        %dma_wait3A_564 = tpu.memref_slice %arg13[%dma_wait3A_557] : memref<5x!tpu.dma_semaphore, #tpu.memory_space<semaphore_mem>> -> memref<1x!tpu.dma_semaphore, #tpu.memory_space<semaphore_mem>>
        %dma_wait3A_565 = tpu.memref_squeeze %dma_wait3A_564 : memref<1x!tpu.dma_semaphore, #tpu.memory_space<semaphore_mem>> -> memref<!tpu.dma_semaphore, #tpu.memory_space<semaphore_mem>>
        %dma_wait3A_566 = arith.constant 0 : i32
        %dma_wait3A_567 = tpu.memref_slice %arg6[%add3A_555, %dma_wait3A_566] : memref<819200x128xf32, #tpu.memory_space<hbm>> -> memref<128x128xf32, #tpu.memory_space<hbm>>
        %dma_wait3A_568 = arith.constant 0 : i32
        %dma_wait3A_569 = arith.constant 0 : i32
        %dma_wait3A_570 = tpu.memref_slice %arg9[%dma_wait3A_556, %dma_wait3A_568, %dma_wait3A_569] : memref<5x128x128xf32, #tpu.memory_space<vmem>> -> memref<1x128x128xf32, #tpu.memory_space<vmem>>
        %dma_wait3A_571 = tpu.memref_squeeze %dma_wait3A_570 : memref<1x128x128xf32, #tpu.memory_space<vmem>> -> memref<128x128xf32, #tpu.memory_space<vmem>>
        tpu.wait_dma2 semaphore(%dma_wait3A_565 : memref<!tpu.dma_semaphore, #tpu.memory_space<semaphore_mem>>) src(%dma_wait3A_571 : memref<128x128xf32, #tpu.memory_space<vmem>>) dst(%dma_wait3A_567 : memref<128x128xf32, #tpu.memory_space<hbm>>)
      } else {
      }
      %dma_start3A = arith.constant 0 : i32
      %dma_start3A_119 = arith.constant 0 : i32
      %dma_start3A_120 = arith.constant 0 : i32
      %dma_start3A_121 = arith.constant 0 : i32
      %dma_start3A_122 = arith.constant 0 : i32
      %dma_start3A_123 = tpu.memref_slice %arg9[%dma_start3A_119, %dma_start3A_121, %dma_start3A_122] : memref<5x128x128xf32, #tpu.memory_space<vmem>> -> memref<1x128x128xf32, #tpu.memory_space<vmem>>
      %dma_start3A_124 = tpu.memref_squeeze %dma_start3A_123 : memref<1x128x128xf32, #tpu.memory_space<vmem>> -> memref<128x128xf32, #tpu.memory_space<vmem>>
      %dma_start3A_125 = arith.constant 0 : i32
      %dma_start3A_126 = tpu.memref_slice %arg7[%rem3A_106, %dma_start3A, %dma_start3A_125] : memref<2x5x128xi32, #tpu.memory_space<vmem>> -> memref<1x1x128xi32, #tpu.memory_space<vmem>>
      %dma_start3A_127 = tpu.memref_squeeze %dma_start3A_126 : memref<1x1x128xi32, #tpu.memory_space<vmem>> -> memref<128xi32, #tpu.memory_space<vmem>>
      %dma_start3A_128 = arith.constant 0 : i32
      %dma_start3A_129 = arith.constant 0 : i32
      %dma_start3A_130 = tpu.memref_slice %arg4[%dma_start3A_128, %dma_start3A_129] : memref<100000x128xf32, #tpu.memory_space<hbm>> -> memref<100000x128xf32, #tpu.memory_space<hbm>>
      %dma_start3A_131 = tpu.memref_slice %arg11[%dma_start3A_120] : memref<5x!tpu.dma_semaphore, #tpu.memory_space<semaphore_mem>> -> memref<1x!tpu.dma_semaphore, #tpu.memory_space<semaphore_mem>>
      %dma_start3A_132 = tpu.memref_squeeze %dma_start3A_131 : memref<1x!tpu.dma_semaphore, #tpu.memory_space<semaphore_mem>> -> memref<!tpu.dma_semaphore, #tpu.memory_space<semaphore_mem>>
      tpu.enqueue_indirect_dma source(%dma_start3A_130 : memref<100000x128xf32, #tpu.memory_space<hbm>>) target(%dma_start3A_124 : memref<128x128xf32, #tpu.memory_space<vmem>>) offsets(%dma_start3A_127 : memref<128xi32, #tpu.memory_space<vmem>>) semaphore(%dma_start3A_132 : memref<!tpu.dma_semaphore, #tpu.memory_space<semaphore_mem>>)
      %gt3A_133 = arith.constant 0 : i32
      %gt3A_134 = arith.cmpi sgt, %add3A_105, %gt3A_133 : i32
      %convert_element_type3A_135 = arith.extui %gt3A_134 : i1 to i32
      %cond3A_136 = arith.constant 0 : i32
      %cond3A_137 = arith.cmpi ne, %convert_element_type3A_135, %cond3A_136 : i32
      scf.if %cond3A_137 {
        %sub3A = arith.constant 5 : i32
        %sub3A_550 = arith.subi %mul3A_108, %sub3A : i32
        %add3A_551 = arith.constant 1 : i32
        %add3A_552 = arith.addi %sub3A_550, %add3A_551 : i32
        %mul3A_553 = arith.constant 128 : i32
        %mul3A_554 = arith.muli %add3A_552, %mul3A_553 : i32
        %add3A_555 = arith.addi %mul3A_7, %mul3A_554 : i32
        %dma_wait3A_556 = arith.constant 1 : i32
        %dma_wait3A_557 = arith.constant 1 : i32
        %dma_wait3A_558 = arith.constant 0 : i32
        %dma_wait3A_559 = arith.constant 0 : i32
        %dma_wait3A_560 = tpu.memref_slice %arg9[%dma_wait3A_556, %dma_wait3A_558, %dma_wait3A_559] : memref<5x128x128xf32, #tpu.memory_space<vmem>> -> memref<1x128x128xf32, #tpu.memory_space<vmem>>
        %dma_wait3A_561 = tpu.memref_squeeze %dma_wait3A_560 : memref<1x128x128xf32, #tpu.memory_space<vmem>> -> memref<128x128xf32, #tpu.memory_space<vmem>>
        %dma_wait3A_562 = arith.constant 0 : i32
        %dma_wait3A_563 = tpu.memref_slice %arg6[%add3A_555, %dma_wait3A_562] : memref<819200x128xf32, #tpu.memory_space<hbm>> -> memref<128x128xf32, #tpu.memory_space<hbm>>
        %dma_wait3A_564 = tpu.memref_slice %arg13[%dma_wait3A_557] : memref<5x!tpu.dma_semaphore, #tpu.memory_space<semaphore_mem>> -> memref<1x!tpu.dma_semaphore, #tpu.memory_space<semaphore_mem>>
        %dma_wait3A_565 = tpu.memref_squeeze %dma_wait3A_564 : memref<1x!tpu.dma_semaphore, #tpu.memory_space<semaphore_mem>> -> memref<!tpu.dma_semaphore, #tpu.memory_space<semaphore_mem>>
        %dma_wait3A_566 = arith.constant 0 : i32
        %dma_wait3A_567 = tpu.memref_slice %arg6[%add3A_555, %dma_wait3A_566] : memref<819200x128xf32, #tpu.memory_space<hbm>> -> memref<128x128xf32, #tpu.memory_space<hbm>>
        %dma_wait3A_568 = arith.constant 0 : i32
        %dma_wait3A_569 = arith.constant 0 : i32
        %dma_wait3A_570 = tpu.memref_slice %arg9[%dma_wait3A_556, %dma_wait3A_568, %dma_wait3A_569] : memref<5x128x128xf32, #tpu.memory_space<vmem>> -> memref<1x128x128xf32, #tpu.memory_space<vmem>>
        %dma_wait3A_571 = tpu.memref_squeeze %dma_wait3A_570 : memref<1x128x128xf32, #tpu.memory_space<vmem>> -> memref<128x128xf32, #tpu.memory_space<vmem>>
        tpu.wait_dma2 semaphore(%dma_wait3A_565 : memref<!tpu.dma_semaphore, #tpu.memory_space<semaphore_mem>>) src(%dma_wait3A_571 : memref<128x128xf32, #tpu.memory_space<vmem>>) dst(%dma_wait3A_567 : memref<128x128xf32, #tpu.memory_space<hbm>>)
      } else {
      }
      %dma_start3A_138 = arith.constant 1 : i32
      %dma_start3A_139 = arith.constant 1 : i32
      %dma_start3A_140 = arith.constant 1 : i32
      %dma_start3A_141 = arith.constant 0 : i32
      %dma_start3A_142 = arith.constant 0 : i32
      %dma_start3A_143 = tpu.memref_slice %arg9[%dma_start3A_139, %dma_start3A_141, %dma_start3A_142] : memref<5x128x128xf32, #tpu.memory_space<vmem>> -> memref<1x128x128xf32, #tpu.memory_space<vmem>>
      %dma_start3A_144 = tpu.memref_squeeze %dma_start3A_143 : memref<1x128x128xf32, #tpu.memory_space<vmem>> -> memref<128x128xf32, #tpu.memory_space<vmem>>
      %dma_start3A_145 = arith.constant 0 : i32
      %dma_start3A_146 = tpu.memref_slice %arg7[%rem3A_106, %dma_start3A_138, %dma_start3A_145] : memref<2x5x128xi32, #tpu.memory_space<vmem>> -> memref<1x1x128xi32, #tpu.memory_space<vmem>>
      %dma_start3A_147 = tpu.memref_squeeze %dma_start3A_146 : memref<1x1x128xi32, #tpu.memory_space<vmem>> -> memref<128xi32, #tpu.memory_space<vmem>>
      %dma_start3A_148 = arith.constant 0 : i32
      %dma_start3A_149 = arith.constant 0 : i32
      %dma_start3A_150 = tpu.memref_slice %arg4[%dma_start3A_148, %dma_start3A_149] : memref<100000x128xf32, #tpu.memory_space<hbm>> -> memref<100000x128xf32, #tpu.memory_space<hbm>>
      %dma_start3A_151 = tpu.memref_slice %arg11[%dma_start3A_140] : memref<5x!tpu.dma_semaphore, #tpu.memory_space<semaphore_mem>> -> memref<1x!tpu.dma_semaphore, #tpu.memory_space<semaphore_mem>>
      %dma_start3A_152 = tpu.memref_squeeze %dma_start3A_151 : memref<1x!tpu.dma_semaphore, #tpu.memory_space<semaphore_mem>> -> memref<!tpu.dma_semaphore, #tpu.memory_space<semaphore_mem>>
      tpu.enqueue_indirect_dma source(%dma_start3A_150 : memref<100000x128xf32, #tpu.memory_space<hbm>>) target(%dma_start3A_144 : memref<128x128xf32, #tpu.memory_space<vmem>>) offsets(%dma_start3A_147 : memref<128xi32, #tpu.memory_space<vmem>>) semaphore(%dma_start3A_152 : memref<!tpu.dma_semaphore, #tpu.memory_space<semaphore_mem>>)
      %gt3A_153 = arith.constant 0 : i32
      %gt3A_154 = arith.cmpi sgt, %add3A_105, %gt3A_153 : i32
      %convert_element_type3A_155 = arith.extui %gt3A_154 : i1 to i32
      %cond3A_156 = arith.constant 0 : i32
      %cond3A_157 = arith.cmpi ne, %convert_element_type3A_155, %cond3A_156 : i32
      scf.if %cond3A_157 {
        %sub3A = arith.constant 5 : i32
        %sub3A_550 = arith.subi %mul3A_108, %sub3A : i32
        %add3A_551 = arith.constant 2 : i32
        %add3A_552 = arith.addi %sub3A_550, %add3A_551 : i32
        %mul3A_553 = arith.constant 128 : i32
        %mul3A_554 = arith.muli %add3A_552, %mul3A_553 : i32
        %add3A_555 = arith.addi %mul3A_7, %mul3A_554 : i32
        %dma_wait3A_556 = arith.constant 2 : i32
        %dma_wait3A_557 = arith.constant 2 : i32
        %dma_wait3A_558 = arith.constant 0 : i32
        %dma_wait3A_559 = arith.constant 0 : i32
        %dma_wait3A_560 = tpu.memref_slice %arg9[%dma_wait3A_556, %dma_wait3A_558, %dma_wait3A_559] : memref<5x128x128xf32, #tpu.memory_space<vmem>> -> memref<1x128x128xf32, #tpu.memory_space<vmem>>
        %dma_wait3A_561 = tpu.memref_squeeze %dma_wait3A_560 : memref<1x128x128xf32, #tpu.memory_space<vmem>> -> memref<128x128xf32, #tpu.memory_space<vmem>>
        %dma_wait3A_562 = arith.constant 0 : i32
        %dma_wait3A_563 = tpu.memref_slice %arg6[%add3A_555, %dma_wait3A_562] : memref<819200x128xf32, #tpu.memory_space<hbm>> -> memref<128x128xf32, #tpu.memory_space<hbm>>
        %dma_wait3A_564 = tpu.memref_slice %arg13[%dma_wait3A_557] : memref<5x!tpu.dma_semaphore, #tpu.memory_space<semaphore_mem>> -> memref<1x!tpu.dma_semaphore, #tpu.memory_space<semaphore_mem>>
        %dma_wait3A_565 = tpu.memref_squeeze %dma_wait3A_564 : memref<1x!tpu.dma_semaphore, #tpu.memory_space<semaphore_mem>> -> memref<!tpu.dma_semaphore, #tpu.memory_space<semaphore_mem>>
        %dma_wait3A_566 = arith.constant 0 : i32
        %dma_wait3A_567 = tpu.memref_slice %arg6[%add3A_555, %dma_wait3A_566] : memref<819200x128xf32, #tpu.memory_space<hbm>> -> memref<128x128xf32, #tpu.memory_space<hbm>>
        %dma_wait3A_568 = arith.constant 0 : i32
        %dma_wait3A_569 = arith.constant 0 : i32
        %dma_wait3A_570 = tpu.memref_slice %arg9[%dma_wait3A_556, %dma_wait3A_568, %dma_wait3A_569] : memref<5x128x128xf32, #tpu.memory_space<vmem>> -> memref<1x128x128xf32, #tpu.memory_space<vmem>>
        %dma_wait3A_571 = tpu.memref_squeeze %dma_wait3A_570 : memref<1x128x128xf32, #tpu.memory_space<vmem>> -> memref<128x128xf32, #tpu.memory_space<vmem>>
        tpu.wait_dma2 semaphore(%dma_wait3A_565 : memref<!tpu.dma_semaphore, #tpu.memory_space<semaphore_mem>>) src(%dma_wait3A_571 : memref<128x128xf32, #tpu.memory_space<vmem>>) dst(%dma_wait3A_567 : memref<128x128xf32, #tpu.memory_space<hbm>>)
      } else {
      }
      %dma_start3A_158 = arith.constant 2 : i32
      %dma_start3A_159 = arith.constant 2 : i32
      %dma_start3A_160 = arith.constant 2 : i32
      %dma_start3A_161 = arith.constant 0 : i32
      %dma_start3A_162 = arith.constant 0 : i32
      %dma_start3A_163 = tpu.memref_slice %arg9[%dma_start3A_159, %dma_start3A_161, %dma_start3A_162] : memref<5x128x128xf32, #tpu.memory_space<vmem>> -> memref<1x128x128xf32, #tpu.memory_space<vmem>>
      %dma_start3A_164 = tpu.memref_squeeze %dma_start3A_163 : memref<1x128x128xf32, #tpu.memory_space<vmem>> -> memref<128x128xf32, #tpu.memory_space<vmem>>
      %dma_start3A_165 = arith.constant 0 : i32
      %dma_start3A_166 = tpu.memref_slice %arg7[%rem3A_106, %dma_start3A_158, %dma_start3A_165] : memref<2x5x128xi32, #tpu.memory_space<vmem>> -> memref<1x1x128xi32, #tpu.memory_space<vmem>>
      %dma_start3A_167 = tpu.memref_squeeze %dma_start3A_166 : memref<1x1x128xi32, #tpu.memory_space<vmem>> -> memref<128xi32, #tpu.memory_space<vmem>>
      %dma_start3A_168 = arith.constant 0 : i32
      %dma_start3A_169 = arith.constant 0 : i32
      %dma_start3A_170 = tpu.memref_slice %arg4[%dma_start3A_168, %dma_start3A_169] : memref<100000x128xf32, #tpu.memory_space<hbm>> -> memref<100000x128xf32, #tpu.memory_space<hbm>>
      %dma_start3A_171 = tpu.memref_slice %arg11[%dma_start3A_160] : memref<5x!tpu.dma_semaphore, #tpu.memory_space<semaphore_mem>> -> memref<1x!tpu.dma_semaphore, #tpu.memory_space<semaphore_mem>>
      %dma_start3A_172 = tpu.memref_squeeze %dma_start3A_171 : memref<1x!tpu.dma_semaphore, #tpu.memory_space<semaphore_mem>> -> memref<!tpu.dma_semaphore, #tpu.memory_space<semaphore_mem>>
      tpu.enqueue_indirect_dma source(%dma_start3A_170 : memref<100000x128xf32, #tpu.memory_space<hbm>>) target(%dma_start3A_164 : memref<128x128xf32, #tpu.memory_space<vmem>>) offsets(%dma_start3A_167 : memref<128xi32, #tpu.memory_space<vmem>>) semaphore(%dma_start3A_172 : memref<!tpu.dma_semaphore, #tpu.memory_space<semaphore_mem>>)
      %gt3A_173 = arith.constant 0 : i32
      %gt3A_174 = arith.cmpi sgt, %add3A_105, %gt3A_173 : i32
      %convert_element_type3A_175 = arith.extui %gt3A_174 : i1 to i32
      %cond3A_176 = arith.constant 0 : i32
      %cond3A_177 = arith.cmpi ne, %convert_element_type3A_175, %cond3A_176 : i32
      scf.if %cond3A_177 {
        %sub3A = arith.constant 5 : i32
        %sub3A_550 = arith.subi %mul3A_108, %sub3A : i32
        %add3A_551 = arith.constant 3 : i32
        %add3A_552 = arith.addi %sub3A_550, %add3A_551 : i32
        %mul3A_553 = arith.constant 128 : i32
        %mul3A_554 = arith.muli %add3A_552, %mul3A_553 : i32
        %add3A_555 = arith.addi %mul3A_7, %mul3A_554 : i32
        %dma_wait3A_556 = arith.constant 3 : i32
        %dma_wait3A_557 = arith.constant 3 : i32
        %dma_wait3A_558 = arith.constant 0 : i32
        %dma_wait3A_559 = arith.constant 0 : i32
        %dma_wait3A_560 = tpu.memref_slice %arg9[%dma_wait3A_556, %dma_wait3A_558, %dma_wait3A_559] : memref<5x128x128xf32, #tpu.memory_space<vmem>> -> memref<1x128x128xf32, #tpu.memory_space<vmem>>
        %dma_wait3A_561 = tpu.memref_squeeze %dma_wait3A_560 : memref<1x128x128xf32, #tpu.memory_space<vmem>> -> memref<128x128xf32, #tpu.memory_space<vmem>>
        %dma_wait3A_562 = arith.constant 0 : i32
        %dma_wait3A_563 = tpu.memref_slice %arg6[%add3A_555, %dma_wait3A_562] : memref<819200x128xf32, #tpu.memory_space<hbm>> -> memref<128x128xf32, #tpu.memory_space<hbm>>
        %dma_wait3A_564 = tpu.memref_slice %arg13[%dma_wait3A_557] : memref<5x!tpu.dma_semaphore, #tpu.memory_space<semaphore_mem>> -> memref<1x!tpu.dma_semaphore, #tpu.memory_space<semaphore_mem>>
        %dma_wait3A_565 = tpu.memref_squeeze %dma_wait3A_564 : memref<1x!tpu.dma_semaphore, #tpu.memory_space<semaphore_mem>> -> memref<!tpu.dma_semaphore, #tpu.memory_space<semaphore_mem>>
        %dma_wait3A_566 = arith.constant 0 : i32
        %dma_wait3A_567 = tpu.memref_slice %arg6[%add3A_555, %dma_wait3A_566] : memref<819200x128xf32, #tpu.memory_space<hbm>> -> memref<128x128xf32, #tpu.memory_space<hbm>>
        %dma_wait3A_568 = arith.constant 0 : i32
        %dma_wait3A_569 = arith.constant 0 : i32
        %dma_wait3A_570 = tpu.memref_slice %arg9[%dma_wait3A_556, %dma_wait3A_568, %dma_wait3A_569] : memref<5x128x128xf32, #tpu.memory_space<vmem>> -> memref<1x128x128xf32, #tpu.memory_space<vmem>>
        %dma_wait3A_571 = tpu.memref_squeeze %dma_wait3A_570 : memref<1x128x128xf32, #tpu.memory_space<vmem>> -> memref<128x128xf32, #tpu.memory_space<vmem>>
        tpu.wait_dma2 semaphore(%dma_wait3A_565 : memref<!tpu.dma_semaphore, #tpu.memory_space<semaphore_mem>>) src(%dma_wait3A_571 : memref<128x128xf32, #tpu.memory_space<vmem>>) dst(%dma_wait3A_567 : memref<128x128xf32, #tpu.memory_space<hbm>>)
      } else {
      }
      %dma_start3A_178 = arith.constant 3 : i32
      %dma_start3A_179 = arith.constant 3 : i32
      %dma_start3A_180 = arith.constant 3 : i32
      %dma_start3A_181 = arith.constant 0 : i32
      %dma_start3A_182 = arith.constant 0 : i32
      %dma_start3A_183 = tpu.memref_slice %arg9[%dma_start3A_179, %dma_start3A_181, %dma_start3A_182] : memref<5x128x128xf32, #tpu.memory_space<vmem>> -> memref<1x128x128xf32, #tpu.memory_space<vmem>>
      %dma_start3A_184 = tpu.memref_squeeze %dma_start3A_183 : memref<1x128x128xf32, #tpu.memory_space<vmem>> -> memref<128x128xf32, #tpu.memory_space<vmem>>
      %dma_start3A_185 = arith.constant 0 : i32
      %dma_start3A_186 = tpu.memref_slice %arg7[%rem3A_106, %dma_start3A_178, %dma_start3A_185] : memref<2x5x128xi32, #tpu.memory_space<vmem>> -> memref<1x1x128xi32, #tpu.memory_space<vmem>>
      %dma_start3A_187 = tpu.memref_squeeze %dma_start3A_186 : memref<1x1x128xi32, #tpu.memory_space<vmem>> -> memref<128xi32, #tpu.memory_space<vmem>>
      %dma_start3A_188 = arith.constant 0 : i32
      %dma_start3A_189 = arith.constant 0 : i32
      %dma_start3A_190 = tpu.memref_slice %arg4[%dma_start3A_188, %dma_start3A_189] : memref<100000x128xf32, #tpu.memory_space<hbm>> -> memref<100000x128xf32, #tpu.memory_space<hbm>>
      %dma_start3A_191 = tpu.memref_slice %arg11[%dma_start3A_180] : memref<5x!tpu.dma_semaphore, #tpu.memory_space<semaphore_mem>> -> memref<1x!tpu.dma_semaphore, #tpu.memory_space<semaphore_mem>>
      %dma_start3A_192 = tpu.memref_squeeze %dma_start3A_191 : memref<1x!tpu.dma_semaphore, #tpu.memory_space<semaphore_mem>> -> memref<!tpu.dma_semaphore, #tpu.memory_space<semaphore_mem>>
      tpu.enqueue_indirect_dma source(%dma_start3A_190 : memref<100000x128xf32, #tpu.memory_space<hbm>>) target(%dma_start3A_184 : memref<128x128xf32, #tpu.memory_space<vmem>>) offsets(%dma_start3A_187 : memref<128xi32, #tpu.memory_space<vmem>>) semaphore(%dma_start3A_192 : memref<!tpu.dma_semaphore, #tpu.memory_space<semaphore_mem>>)
      %gt3A_193 = arith.constant 0 : i32
      %gt3A_194 = arith.cmpi sgt, %add3A_105, %gt3A_193 : i32
      %convert_element_type3A_195 = arith.extui %gt3A_194 : i1 to i32
      %cond3A_196 = arith.constant 0 : i32
      %cond3A_197 = arith.cmpi ne, %convert_element_type3A_195, %cond3A_196 : i32
      scf.if %cond3A_197 {
        %sub3A = arith.constant 5 : i32
        %sub3A_550 = arith.subi %mul3A_108, %sub3A : i32
        %add3A_551 = arith.constant 4 : i32
        %add3A_552 = arith.addi %sub3A_550, %add3A_551 : i32
        %mul3A_553 = arith.constant 128 : i32
        %mul3A_554 = arith.muli %add3A_552, %mul3A_553 : i32
        %add3A_555 = arith.addi %mul3A_7, %mul3A_554 : i32
        %dma_wait3A_556 = arith.constant 4 : i32
        %dma_wait3A_557 = arith.constant 4 : i32
        %dma_wait3A_558 = arith.constant 0 : i32
        %dma_wait3A_559 = arith.constant 0 : i32
        %dma_wait3A_560 = tpu.memref_slice %arg9[%dma_wait3A_556, %dma_wait3A_558, %dma_wait3A_559] : memref<5x128x128xf32, #tpu.memory_space<vmem>> -> memref<1x128x128xf32, #tpu.memory_space<vmem>>
        %dma_wait3A_561 = tpu.memref_squeeze %dma_wait3A_560 : memref<1x128x128xf32, #tpu.memory_space<vmem>> -> memref<128x128xf32, #tpu.memory_space<vmem>>
        %dma_wait3A_562 = arith.constant 0 : i32
        %dma_wait3A_563 = tpu.memref_slice %arg6[%add3A_555, %dma_wait3A_562] : memref<819200x128xf32, #tpu.memory_space<hbm>> -> memref<128x128xf32, #tpu.memory_space<hbm>>
        %dma_wait3A_564 = tpu.memref_slice %arg13[%dma_wait3A_557] : memref<5x!tpu.dma_semaphore, #tpu.memory_space<semaphore_mem>> -> memref<1x!tpu.dma_semaphore, #tpu.memory_space<semaphore_mem>>
        %dma_wait3A_565 = tpu.memref_squeeze %dma_wait3A_564 : memref<1x!tpu.dma_semaphore, #tpu.memory_space<semaphore_mem>> -> memref<!tpu.dma_semaphore, #tpu.memory_space<semaphore_mem>>
        %dma_wait3A_566 = arith.constant 0 : i32
        %dma_wait3A_567 = tpu.memref_slice %arg6[%add3A_555, %dma_wait3A_566] : memref<819200x128xf32, #tpu.memory_space<hbm>> -> memref<128x128xf32, #tpu.memory_space<hbm>>
        %dma_wait3A_568 = arith.constant 0 : i32
        %dma_wait3A_569 = arith.constant 0 : i32
        %dma_wait3A_570 = tpu.memref_slice %arg9[%dma_wait3A_556, %dma_wait3A_568, %dma_wait3A_569] : memref<5x128x128xf32, #tpu.memory_space<vmem>> -> memref<1x128x128xf32, #tpu.memory_space<vmem>>
        %dma_wait3A_571 = tpu.memref_squeeze %dma_wait3A_570 : memref<1x128x128xf32, #tpu.memory_space<vmem>> -> memref<128x128xf32, #tpu.memory_space<vmem>>
        tpu.wait_dma2 semaphore(%dma_wait3A_565 : memref<!tpu.dma_semaphore, #tpu.memory_space<semaphore_mem>>) src(%dma_wait3A_571 : memref<128x128xf32, #tpu.memory_space<vmem>>) dst(%dma_wait3A_567 : memref<128x128xf32, #tpu.memory_space<hbm>>)
      } else {
      }
      %dma_start3A_198 = arith.constant 4 : i32
      %dma_start3A_199 = arith.constant 4 : i32
      %dma_start3A_200 = arith.constant 4 : i32
      %dma_start3A_201 = arith.constant 0 : i32
      %dma_start3A_202 = arith.constant 0 : i32
      %dma_start3A_203 = tpu.memref_slice %arg9[%dma_start3A_199, %dma_start3A_201, %dma_start3A_202] : memref<5x128x128xf32, #tpu.memory_space<vmem>> -> memref<1x128x128xf32, #tpu.memory_space<vmem>>
      %dma_start3A_204 = tpu.memref_squeeze %dma_start3A_203 : memref<1x128x128xf32, #tpu.memory_space<vmem>> -> memref<128x128xf32, #tpu.memory_space<vmem>>
      %dma_start3A_205 = arith.constant 0 : i32
      %dma_start3A_206 = tpu.memref_slice %arg7[%rem3A_106, %dma_start3A_198, %dma_start3A_205] : memref<2x5x128xi32, #tpu.memory_space<vmem>> -> memref<1x1x128xi32, #tpu.memory_space<vmem>>
      %dma_start3A_207 = tpu.memref_squeeze %dma_start3A_206 : memref<1x1x128xi32, #tpu.memory_space<vmem>> -> memref<128xi32, #tpu.memory_space<vmem>>
      %dma_start3A_208 = arith.constant 0 : i32
      %dma_start3A_209 = arith.constant 0 : i32
      %dma_start3A_210 = tpu.memref_slice %arg4[%dma_start3A_208, %dma_start3A_209] : memref<100000x128xf32, #tpu.memory_space<hbm>> -> memref<100000x128xf32, #tpu.memory_space<hbm>>
      %dma_start3A_211 = tpu.memref_slice %arg11[%dma_start3A_200] : memref<5x!tpu.dma_semaphore, #tpu.memory_space<semaphore_mem>> -> memref<1x!tpu.dma_semaphore, #tpu.memory_space<semaphore_mem>>
      %dma_start3A_212 = tpu.memref_squeeze %dma_start3A_211 : memref<1x!tpu.dma_semaphore, #tpu.memory_space<semaphore_mem>> -> memref<!tpu.dma_semaphore, #tpu.memory_space<semaphore_mem>>
      tpu.enqueue_indirect_dma source(%dma_start3A_210 : memref<100000x128xf32, #tpu.memory_space<hbm>>) target(%dma_start3A_204 : memref<128x128xf32, #tpu.memory_space<vmem>>) offsets(%dma_start3A_207 : memref<128xi32, #tpu.memory_space<vmem>>) semaphore(%dma_start3A_212 : memref<!tpu.dma_semaphore, #tpu.memory_space<semaphore_mem>>)
      %dma_wait3A_213 = arith.constant 0 : i32
      %dma_wait3A_214 = arith.constant 0 : i32
      %dma_wait3A_215 = arith.constant 0 : i32
      %dma_wait3A_216 = arith.constant 0 : i32
      %dma_wait3A_217 = arith.constant 0 : i32
      %dma_wait3A_218 = tpu.memref_slice %arg9[%dma_wait3A_214, %dma_wait3A_216, %dma_wait3A_217] : memref<5x128x128xf32, #tpu.memory_space<vmem>> -> memref<1x128x128xf32, #tpu.memory_space<vmem>>
      %dma_wait3A_219 = tpu.memref_squeeze %dma_wait3A_218 : memref<1x128x128xf32, #tpu.memory_space<vmem>> -> memref<128x128xf32, #tpu.memory_space<vmem>>
      %dma_wait3A_220 = arith.constant 0 : i32
      %dma_wait3A_221 = tpu.memref_slice %arg7[%rem3A_106, %dma_wait3A_213, %dma_wait3A_220] : memref<2x5x128xi32, #tpu.memory_space<vmem>> -> memref<1x1x128xi32, #tpu.memory_space<vmem>>
      %dma_wait3A_222 = tpu.memref_squeeze %dma_wait3A_221 : memref<1x1x128xi32, #tpu.memory_space<vmem>> -> memref<128xi32, #tpu.memory_space<vmem>>
      %dma_wait3A_223 = arith.constant 0 : i32
      %dma_wait3A_224 = arith.constant 0 : i32
      %dma_wait3A_225 = tpu.memref_slice %arg4[%dma_wait3A_223, %dma_wait3A_224] : memref<100000x128xf32, #tpu.memory_space<hbm>> -> memref<100000x128xf32, #tpu.memory_space<hbm>>
      %dma_wait3A_226 = tpu.memref_slice %arg11[%dma_wait3A_215] : memref<5x!tpu.dma_semaphore, #tpu.memory_space<semaphore_mem>> -> memref<1x!tpu.dma_semaphore, #tpu.memory_space<semaphore_mem>>
      %dma_wait3A_227 = tpu.memref_squeeze %dma_wait3A_226 : memref<1x!tpu.dma_semaphore, #tpu.memory_space<semaphore_mem>> -> memref<!tpu.dma_semaphore, #tpu.memory_space<semaphore_mem>>
      tpu.wait_indirect_dma semaphore(%dma_wait3A_227 : memref<!tpu.dma_semaphore, #tpu.memory_space<semaphore_mem>>) src(%dma_wait3A_225 : memref<100000x128xf32, #tpu.memory_space<hbm>>) dst(%dma_wait3A_219 : memref<128x128xf32, #tpu.memory_space<vmem>>)
      %dma_start3A_228 = arith.constant 0 : i32
      %dma_start3A_229 = arith.constant 0 : i32
      %dma_start3A_230 = arith.constant 0 : i32
      %dma_start3A_231 = arith.constant 0 : i32
      %dma_start3A_232 = arith.constant 0 : i32
      %dma_start3A_233 = tpu.memref_slice %arg9[%dma_start3A_229, %dma_start3A_231, %dma_start3A_232] : memref<5x128x128xf32, #tpu.memory_space<vmem>> -> memref<1x128x128xf32, #tpu.memory_space<vmem>>
      %dma_start3A_234 = tpu.memref_squeeze %dma_start3A_233 : memref<1x128x128xf32, #tpu.memory_space<vmem>> -> memref<128x128xf32, #tpu.memory_space<vmem>>
      %dma_start3A_235 = arith.constant 0 : i32
      %dma_start3A_236 = tpu.memref_slice %arg8[%rem3A_106, %dma_start3A_228, %dma_start3A_235] : memref<2x5x128xi32, #tpu.memory_space<vmem>> -> memref<1x1x128xi32, #tpu.memory_space<vmem>>
      %dma_start3A_237 = tpu.memref_squeeze %dma_start3A_236 : memref<1x1x128xi32, #tpu.memory_space<vmem>> -> memref<128xi32, #tpu.memory_space<vmem>>
      %dma_start3A_238 = arith.constant 0 : i32
      %dma_start3A_239 = arith.constant 0 : i32
      %dma_start3A_240 = tpu.memref_slice %arg10[%dma_start3A_238, %dma_start3A_239] : memref<201x128xf32, #tpu.memory_space<vmem_shared>> -> memref<201x128xf32, #tpu.memory_space<vmem_shared>>
      %dma_start3A_241 = tpu.memref_slice %arg12[%dma_start3A_230] : memref<5x!tpu.dma_semaphore, #tpu.memory_space<semaphore_mem>> -> memref<1x!tpu.dma_semaphore, #tpu.memory_space<semaphore_mem>>
      %dma_start3A_242 = tpu.memref_squeeze %dma_start3A_241 : memref<1x!tpu.dma_semaphore, #tpu.memory_space<semaphore_mem>> -> memref<!tpu.dma_semaphore, #tpu.memory_space<semaphore_mem>>
      tpu.enqueue_indirect_dma source(%dma_start3A_240 : memref<201x128xf32, #tpu.memory_space<vmem_shared>>) target(%dma_start3A_234 : memref<128x128xf32, #tpu.memory_space<vmem>>) offsets(%dma_start3A_237 : memref<128xi32, #tpu.memory_space<vmem>>) semaphore(%dma_start3A_242 : memref<!tpu.dma_semaphore, #tpu.memory_space<semaphore_mem>>) {add = true}
      %dma_wait3A_243 = arith.constant 1 : i32
      %dma_wait3A_244 = arith.constant 1 : i32
      %dma_wait3A_245 = arith.constant 1 : i32
      %dma_wait3A_246 = arith.constant 0 : i32
      %dma_wait3A_247 = arith.constant 0 : i32
      %dma_wait3A_248 = tpu.memref_slice %arg9[%dma_wait3A_244, %dma_wait3A_246, %dma_wait3A_247] : memref<5x128x128xf32, #tpu.memory_space<vmem>> -> memref<1x128x128xf32, #tpu.memory_space<vmem>>
      %dma_wait3A_249 = tpu.memref_squeeze %dma_wait3A_248 : memref<1x128x128xf32, #tpu.memory_space<vmem>> -> memref<128x128xf32, #tpu.memory_space<vmem>>
      %dma_wait3A_250 = arith.constant 0 : i32
      %dma_wait3A_251 = tpu.memref_slice %arg7[%rem3A_106, %dma_wait3A_243, %dma_wait3A_250] : memref<2x5x128xi32, #tpu.memory_space<vmem>> -> memref<1x1x128xi32, #tpu.memory_space<vmem>>
      %dma_wait3A_252 = tpu.memref_squeeze %dma_wait3A_251 : memref<1x1x128xi32, #tpu.memory_space<vmem>> -> memref<128xi32, #tpu.memory_space<vmem>>
      %dma_wait3A_253 = arith.constant 0 : i32
      %dma_wait3A_254 = arith.constant 0 : i32
      %dma_wait3A_255 = tpu.memref_slice %arg4[%dma_wait3A_253, %dma_wait3A_254] : memref<100000x128xf32, #tpu.memory_space<hbm>> -> memref<100000x128xf32, #tpu.memory_space<hbm>>
      %dma_wait3A_256 = tpu.memref_slice %arg11[%dma_wait3A_245] : memref<5x!tpu.dma_semaphore, #tpu.memory_space<semaphore_mem>> -> memref<1x!tpu.dma_semaphore, #tpu.memory_space<semaphore_mem>>
      %dma_wait3A_257 = tpu.memref_squeeze %dma_wait3A_256 : memref<1x!tpu.dma_semaphore, #tpu.memory_space<semaphore_mem>> -> memref<!tpu.dma_semaphore, #tpu.memory_space<semaphore_mem>>
      tpu.wait_indirect_dma semaphore(%dma_wait3A_257 : memref<!tpu.dma_semaphore, #tpu.memory_space<semaphore_mem>>) src(%dma_wait3A_255 : memref<100000x128xf32, #tpu.memory_space<hbm>>) dst(%dma_wait3A_249 : memref<128x128xf32, #tpu.memory_space<vmem>>)
      %dma_start3A_258 = arith.constant 1 : i32
      %dma_start3A_259 = arith.constant 1 : i32
      %dma_start3A_260 = arith.constant 1 : i32
      %dma_start3A_261 = arith.constant 0 : i32
      %dma_start3A_262 = arith.constant 0 : i32
      %dma_start3A_263 = tpu.memref_slice %arg9[%dma_start3A_259, %dma_start3A_261, %dma_start3A_262] : memref<5x128x128xf32, #tpu.memory_space<vmem>> -> memref<1x128x128xf32, #tpu.memory_space<vmem>>
      %dma_start3A_264 = tpu.memref_squeeze %dma_start3A_263 : memref<1x128x128xf32, #tpu.memory_space<vmem>> -> memref<128x128xf32, #tpu.memory_space<vmem>>
      %dma_start3A_265 = arith.constant 0 : i32
      %dma_start3A_266 = tpu.memref_slice %arg8[%rem3A_106, %dma_start3A_258, %dma_start3A_265] : memref<2x5x128xi32, #tpu.memory_space<vmem>> -> memref<1x1x128xi32, #tpu.memory_space<vmem>>
      %dma_start3A_267 = tpu.memref_squeeze %dma_start3A_266 : memref<1x1x128xi32, #tpu.memory_space<vmem>> -> memref<128xi32, #tpu.memory_space<vmem>>
      %dma_start3A_268 = arith.constant 0 : i32
      %dma_start3A_269 = arith.constant 0 : i32
      %dma_start3A_270 = tpu.memref_slice %arg10[%dma_start3A_268, %dma_start3A_269] : memref<201x128xf32, #tpu.memory_space<vmem_shared>> -> memref<201x128xf32, #tpu.memory_space<vmem_shared>>
      %dma_start3A_271 = tpu.memref_slice %arg12[%dma_start3A_260] : memref<5x!tpu.dma_semaphore, #tpu.memory_space<semaphore_mem>> -> memref<1x!tpu.dma_semaphore, #tpu.memory_space<semaphore_mem>>
      %dma_start3A_272 = tpu.memref_squeeze %dma_start3A_271 : memref<1x!tpu.dma_semaphore, #tpu.memory_space<semaphore_mem>> -> memref<!tpu.dma_semaphore, #tpu.memory_space<semaphore_mem>>
      tpu.enqueue_indirect_dma source(%dma_start3A_270 : memref<201x128xf32, #tpu.memory_space<vmem_shared>>) target(%dma_start3A_264 : memref<128x128xf32, #tpu.memory_space<vmem>>) offsets(%dma_start3A_267 : memref<128xi32, #tpu.memory_space<vmem>>) semaphore(%dma_start3A_272 : memref<!tpu.dma_semaphore, #tpu.memory_space<semaphore_mem>>) {add = true}
      %dma_wait3A_273 = arith.constant 2 : i32
      %dma_wait3A_274 = arith.constant 2 : i32
      %dma_wait3A_275 = arith.constant 2 : i32
      %dma_wait3A_276 = arith.constant 0 : i32
      %dma_wait3A_277 = arith.constant 0 : i32
      %dma_wait3A_278 = tpu.memref_slice %arg9[%dma_wait3A_274, %dma_wait3A_276, %dma_wait3A_277] : memref<5x128x128xf32, #tpu.memory_space<vmem>> -> memref<1x128x128xf32, #tpu.memory_space<vmem>>
      %dma_wait3A_279 = tpu.memref_squeeze %dma_wait3A_278 : memref<1x128x128xf32, #tpu.memory_space<vmem>> -> memref<128x128xf32, #tpu.memory_space<vmem>>
      %dma_wait3A_280 = arith.constant 0 : i32
      %dma_wait3A_281 = tpu.memref_slice %arg7[%rem3A_106, %dma_wait3A_273, %dma_wait3A_280] : memref<2x5x128xi32, #tpu.memory_space<vmem>> -> memref<1x1x128xi32, #tpu.memory_space<vmem>>
      %dma_wait3A_282 = tpu.memref_squeeze %dma_wait3A_281 : memref<1x1x128xi32, #tpu.memory_space<vmem>> -> memref<128xi32, #tpu.memory_space<vmem>>
      %dma_wait3A_283 = arith.constant 0 : i32
      %dma_wait3A_284 = arith.constant 0 : i32
      %dma_wait3A_285 = tpu.memref_slice %arg4[%dma_wait3A_283, %dma_wait3A_284] : memref<100000x128xf32, #tpu.memory_space<hbm>> -> memref<100000x128xf32, #tpu.memory_space<hbm>>
      %dma_wait3A_286 = tpu.memref_slice %arg11[%dma_wait3A_275] : memref<5x!tpu.dma_semaphore, #tpu.memory_space<semaphore_mem>> -> memref<1x!tpu.dma_semaphore, #tpu.memory_space<semaphore_mem>>
      %dma_wait3A_287 = tpu.memref_squeeze %dma_wait3A_286 : memref<1x!tpu.dma_semaphore, #tpu.memory_space<semaphore_mem>> -> memref<!tpu.dma_semaphore, #tpu.memory_space<semaphore_mem>>
      tpu.wait_indirect_dma semaphore(%dma_wait3A_287 : memref<!tpu.dma_semaphore, #tpu.memory_space<semaphore_mem>>) src(%dma_wait3A_285 : memref<100000x128xf32, #tpu.memory_space<hbm>>) dst(%dma_wait3A_279 : memref<128x128xf32, #tpu.memory_space<vmem>>)
      %dma_start3A_288 = arith.constant 2 : i32
      %dma_start3A_289 = arith.constant 2 : i32
      %dma_start3A_290 = arith.constant 2 : i32
      %dma_start3A_291 = arith.constant 0 : i32
      %dma_start3A_292 = arith.constant 0 : i32
      %dma_start3A_293 = tpu.memref_slice %arg9[%dma_start3A_289, %dma_start3A_291, %dma_start3A_292] : memref<5x128x128xf32, #tpu.memory_space<vmem>> -> memref<1x128x128xf32, #tpu.memory_space<vmem>>
      %dma_start3A_294 = tpu.memref_squeeze %dma_start3A_293 : memref<1x128x128xf32, #tpu.memory_space<vmem>> -> memref<128x128xf32, #tpu.memory_space<vmem>>
      %dma_start3A_295 = arith.constant 0 : i32
      %dma_start3A_296 = tpu.memref_slice %arg8[%rem3A_106, %dma_start3A_288, %dma_start3A_295] : memref<2x5x128xi32, #tpu.memory_space<vmem>> -> memref<1x1x128xi32, #tpu.memory_space<vmem>>
      %dma_start3A_297 = tpu.memref_squeeze %dma_start3A_296 : memref<1x1x128xi32, #tpu.memory_space<vmem>> -> memref<128xi32, #tpu.memory_space<vmem>>
      %dma_start3A_298 = arith.constant 0 : i32
      %dma_start3A_299 = arith.constant 0 : i32
      %dma_start3A_300 = tpu.memref_slice %arg10[%dma_start3A_298, %dma_start3A_299] : memref<201x128xf32, #tpu.memory_space<vmem_shared>> -> memref<201x128xf32, #tpu.memory_space<vmem_shared>>
      %dma_start3A_301 = tpu.memref_slice %arg12[%dma_start3A_290] : memref<5x!tpu.dma_semaphore, #tpu.memory_space<semaphore_mem>> -> memref<1x!tpu.dma_semaphore, #tpu.memory_space<semaphore_mem>>
      %dma_start3A_302 = tpu.memref_squeeze %dma_start3A_301 : memref<1x!tpu.dma_semaphore, #tpu.memory_space<semaphore_mem>> -> memref<!tpu.dma_semaphore, #tpu.memory_space<semaphore_mem>>
      tpu.enqueue_indirect_dma source(%dma_start3A_300 : memref<201x128xf32, #tpu.memory_space<vmem_shared>>) target(%dma_start3A_294 : memref<128x128xf32, #tpu.memory_space<vmem>>) offsets(%dma_start3A_297 : memref<128xi32, #tpu.memory_space<vmem>>) semaphore(%dma_start3A_302 : memref<!tpu.dma_semaphore, #tpu.memory_space<semaphore_mem>>) {add = true}
      %dma_wait3A_303 = arith.constant 3 : i32
      %dma_wait3A_304 = arith.constant 3 : i32
      %dma_wait3A_305 = arith.constant 3 : i32
      %dma_wait3A_306 = arith.constant 0 : i32
      %dma_wait3A_307 = arith.constant 0 : i32
      %dma_wait3A_308 = tpu.memref_slice %arg9[%dma_wait3A_304, %dma_wait3A_306, %dma_wait3A_307] : memref<5x128x128xf32, #tpu.memory_space<vmem>> -> memref<1x128x128xf32, #tpu.memory_space<vmem>>
      %dma_wait3A_309 = tpu.memref_squeeze %dma_wait3A_308 : memref<1x128x128xf32, #tpu.memory_space<vmem>> -> memref<128x128xf32, #tpu.memory_space<vmem>>
      %dma_wait3A_310 = arith.constant 0 : i32
      %dma_wait3A_311 = tpu.memref_slice %arg7[%rem3A_106, %dma_wait3A_303, %dma_wait3A_310] : memref<2x5x128xi32, #tpu.memory_space<vmem>> -> memref<1x1x128xi32, #tpu.memory_space<vmem>>
      %dma_wait3A_312 = tpu.memref_squeeze %dma_wait3A_311 : memref<1x1x128xi32, #tpu.memory_space<vmem>> -> memref<128xi32, #tpu.memory_space<vmem>>
      %dma_wait3A_313 = arith.constant 0 : i32
      %dma_wait3A_314 = arith.constant 0 : i32
      %dma_wait3A_315 = tpu.memref_slice %arg4[%dma_wait3A_313, %dma_wait3A_314] : memref<100000x128xf32, #tpu.memory_space<hbm>> -> memref<100000x128xf32, #tpu.memory_space<hbm>>
      %dma_wait3A_316 = tpu.memref_slice %arg11[%dma_wait3A_305] : memref<5x!tpu.dma_semaphore, #tpu.memory_space<semaphore_mem>> -> memref<1x!tpu.dma_semaphore, #tpu.memory_space<semaphore_mem>>
      %dma_wait3A_317 = tpu.memref_squeeze %dma_wait3A_316 : memref<1x!tpu.dma_semaphore, #tpu.memory_space<semaphore_mem>> -> memref<!tpu.dma_semaphore, #tpu.memory_space<semaphore_mem>>
      tpu.wait_indirect_dma semaphore(%dma_wait3A_317 : memref<!tpu.dma_semaphore, #tpu.memory_space<semaphore_mem>>) src(%dma_wait3A_315 : memref<100000x128xf32, #tpu.memory_space<hbm>>) dst(%dma_wait3A_309 : memref<128x128xf32, #tpu.memory_space<vmem>>)
      %dma_start3A_318 = arith.constant 3 : i32
      %dma_start3A_319 = arith.constant 3 : i32
      %dma_start3A_320 = arith.constant 3 : i32
      %dma_start3A_321 = arith.constant 0 : i32
      %dma_start3A_322 = arith.constant 0 : i32
      %dma_start3A_323 = tpu.memref_slice %arg9[%dma_start3A_319, %dma_start3A_321, %dma_start3A_322] : memref<5x128x128xf32, #tpu.memory_space<vmem>> -> memref<1x128x128xf32, #tpu.memory_space<vmem>>
      %dma_start3A_324 = tpu.memref_squeeze %dma_start3A_323 : memref<1x128x128xf32, #tpu.memory_space<vmem>> -> memref<128x128xf32, #tpu.memory_space<vmem>>
      %dma_start3A_325 = arith.constant 0 : i32
      %dma_start3A_326 = tpu.memref_slice %arg8[%rem3A_106, %dma_start3A_318, %dma_start3A_325] : memref<2x5x128xi32, #tpu.memory_space<vmem>> -> memref<1x1x128xi32, #tpu.memory_space<vmem>>
      %dma_start3A_327 = tpu.memref_squeeze %dma_start3A_326 : memref<1x1x128xi32, #tpu.memory_space<vmem>> -> memref<128xi32, #tpu.memory_space<vmem>>
      %dma_start3A_328 = arith.constant 0 : i32
      %dma_start3A_329 = arith.constant 0 : i32
      %dma_start3A_330 = tpu.memref_slice %arg10[%dma_start3A_328, %dma_start3A_329] : memref<201x128xf32, #tpu.memory_space<vmem_shared>> -> memref<201x128xf32, #tpu.memory_space<vmem_shared>>
      %dma_start3A_331 = tpu.memref_slice %arg12[%dma_start3A_320] : memref<5x!tpu.dma_semaphore, #tpu.memory_space<semaphore_mem>> -> memref<1x!tpu.dma_semaphore, #tpu.memory_space<semaphore_mem>>
      %dma_start3A_332 = tpu.memref_squeeze %dma_start3A_331 : memref<1x!tpu.dma_semaphore, #tpu.memory_space<semaphore_mem>> -> memref<!tpu.dma_semaphore, #tpu.memory_space<semaphore_mem>>
      tpu.enqueue_indirect_dma source(%dma_start3A_330 : memref<201x128xf32, #tpu.memory_space<vmem_shared>>) target(%dma_start3A_324 : memref<128x128xf32, #tpu.memory_space<vmem>>) offsets(%dma_start3A_327 : memref<128xi32, #tpu.memory_space<vmem>>) semaphore(%dma_start3A_332 : memref<!tpu.dma_semaphore, #tpu.memory_space<semaphore_mem>>) {add = true}
      %dma_wait3A_333 = arith.constant 4 : i32
      %dma_wait3A_334 = arith.constant 4 : i32
      %dma_wait3A_335 = arith.constant 4 : i32
      %dma_wait3A_336 = arith.constant 0 : i32
      %dma_wait3A_337 = arith.constant 0 : i32
      %dma_wait3A_338 = tpu.memref_slice %arg9[%dma_wait3A_334, %dma_wait3A_336, %dma_wait3A_337] : memref<5x128x128xf32, #tpu.memory_space<vmem>> -> memref<1x128x128xf32, #tpu.memory_space<vmem>>
      %dma_wait3A_339 = tpu.memref_squeeze %dma_wait3A_338 : memref<1x128x128xf32, #tpu.memory_space<vmem>> -> memref<128x128xf32, #tpu.memory_space<vmem>>
      %dma_wait3A_340 = arith.constant 0 : i32
      %dma_wait3A_341 = tpu.memref_slice %arg7[%rem3A_106, %dma_wait3A_333, %dma_wait3A_340] : memref<2x5x128xi32, #tpu.memory_space<vmem>> -> memref<1x1x128xi32, #tpu.memory_space<vmem>>
      %dma_wait3A_342 = tpu.memref_squeeze %dma_wait3A_341 : memref<1x1x128xi32, #tpu.memory_space<vmem>> -> memref<128xi32, #tpu.memory_space<vmem>>
      %dma_wait3A_343 = arith.constant 0 : i32
      %dma_wait3A_344 = arith.constant 0 : i32
      %dma_wait3A_345 = tpu.memref_slice %arg4[%dma_wait3A_343, %dma_wait3A_344] : memref<100000x128xf32, #tpu.memory_space<hbm>> -> memref<100000x128xf32, #tpu.memory_space<hbm>>
      %dma_wait3A_346 = tpu.memref_slice %arg11[%dma_wait3A_335] : memref<5x!tpu.dma_semaphore, #tpu.memory_space<semaphore_mem>> -> memref<1x!tpu.dma_semaphore, #tpu.memory_space<semaphore_mem>>
      %dma_wait3A_347 = tpu.memref_squeeze %dma_wait3A_346 : memref<1x!tpu.dma_semaphore, #tpu.memory_space<semaphore_mem>> -> memref<!tpu.dma_semaphore, #tpu.memory_space<semaphore_mem>>
      tpu.wait_indirect_dma semaphore(%dma_wait3A_347 : memref<!tpu.dma_semaphore, #tpu.memory_space<semaphore_mem>>) src(%dma_wait3A_345 : memref<100000x128xf32, #tpu.memory_space<hbm>>) dst(%dma_wait3A_339 : memref<128x128xf32, #tpu.memory_space<vmem>>)
      %dma_start3A_348 = arith.constant 4 : i32
      %dma_start3A_349 = arith.constant 4 : i32
      %dma_start3A_350 = arith.constant 4 : i32
      %dma_start3A_351 = arith.constant 0 : i32
      %dma_start3A_352 = arith.constant 0 : i32
      %dma_start3A_353 = tpu.memref_slice %arg9[%dma_start3A_349, %dma_start3A_351, %dma_start3A_352] : memref<5x128x128xf32, #tpu.memory_space<vmem>> -> memref<1x128x128xf32, #tpu.memory_space<vmem>>
      %dma_start3A_354 = tpu.memref_squeeze %dma_start3A_353 : memref<1x128x128xf32, #tpu.memory_space<vmem>> -> memref<128x128xf32, #tpu.memory_space<vmem>>
      %dma_start3A_355 = arith.constant 0 : i32
      %dma_start3A_356 = tpu.memref_slice %arg8[%rem3A_106, %dma_start3A_348, %dma_start3A_355] : memref<2x5x128xi32, #tpu.memory_space<vmem>> -> memref<1x1x128xi32, #tpu.memory_space<vmem>>
      %dma_start3A_357 = tpu.memref_squeeze %dma_start3A_356 : memref<1x1x128xi32, #tpu.memory_space<vmem>> -> memref<128xi32, #tpu.memory_space<vmem>>
      %dma_start3A_358 = arith.constant 0 : i32
      %dma_start3A_359 = arith.constant 0 : i32
      %dma_start3A_360 = tpu.memref_slice %arg10[%dma_start3A_358, %dma_start3A_359] : memref<201x128xf32, #tpu.memory_space<vmem_shared>> -> memref<201x128xf32, #tpu.memory_space<vmem_shared>>
      %dma_start3A_361 = tpu.memref_slice %arg12[%dma_start3A_350] : memref<5x!tpu.dma_semaphore, #tpu.memory_space<semaphore_mem>> -> memref<1x!tpu.dma_semaphore, #tpu.memory_space<semaphore_mem>>
      %dma_start3A_362 = tpu.memref_squeeze %dma_start3A_361 : memref<1x!tpu.dma_semaphore, #tpu.memory_space<semaphore_mem>> -> memref<!tpu.dma_semaphore, #tpu.memory_space<semaphore_mem>>
      tpu.enqueue_indirect_dma source(%dma_start3A_360 : memref<201x128xf32, #tpu.memory_space<vmem_shared>>) target(%dma_start3A_354 : memref<128x128xf32, #tpu.memory_space<vmem>>) offsets(%dma_start3A_357 : memref<128xi32, #tpu.memory_space<vmem>>) semaphore(%dma_start3A_362 : memref<!tpu.dma_semaphore, #tpu.memory_space<semaphore_mem>>) {add = true}
      %dma_wait3A_363 = arith.constant 0 : i32
      %dma_wait3A_364 = arith.constant 0 : i32
      %dma_wait3A_365 = arith.constant 0 : i32
      %dma_wait3A_366 = arith.constant 0 : i32
      %dma_wait3A_367 = arith.constant 0 : i32
      %dma_wait3A_368 = tpu.memref_slice %arg9[%dma_wait3A_364, %dma_wait3A_366, %dma_wait3A_367] : memref<5x128x128xf32, #tpu.memory_space<vmem>> -> memref<1x128x128xf32, #tpu.memory_space<vmem>>
      %dma_wait3A_369 = tpu.memref_squeeze %dma_wait3A_368 : memref<1x128x128xf32, #tpu.memory_space<vmem>> -> memref<128x128xf32, #tpu.memory_space<vmem>>
      %dma_wait3A_370 = arith.constant 0 : i32
      %dma_wait3A_371 = tpu.memref_slice %arg8[%rem3A_106, %dma_wait3A_363, %dma_wait3A_370] : memref<2x5x128xi32, #tpu.memory_space<vmem>> -> memref<1x1x128xi32, #tpu.memory_space<vmem>>
      %dma_wait3A_372 = tpu.memref_squeeze %dma_wait3A_371 : memref<1x1x128xi32, #tpu.memory_space<vmem>> -> memref<128xi32, #tpu.memory_space<vmem>>
      %dma_wait3A_373 = arith.constant 0 : i32
      %dma_wait3A_374 = arith.constant 0 : i32
      %dma_wait3A_375 = tpu.memref_slice %arg10[%dma_wait3A_373, %dma_wait3A_374] : memref<201x128xf32, #tpu.memory_space<vmem_shared>> -> memref<201x128xf32, #tpu.memory_space<vmem_shared>>
      %dma_wait3A_376 = tpu.memref_slice %arg12[%dma_wait3A_365] : memref<5x!tpu.dma_semaphore, #tpu.memory_space<semaphore_mem>> -> memref<1x!tpu.dma_semaphore, #tpu.memory_space<semaphore_mem>>
      %dma_wait3A_377 = tpu.memref_squeeze %dma_wait3A_376 : memref<1x!tpu.dma_semaphore, #tpu.memory_space<semaphore_mem>> -> memref<!tpu.dma_semaphore, #tpu.memory_space<semaphore_mem>>
      tpu.wait_indirect_dma semaphore(%dma_wait3A_377 : memref<!tpu.dma_semaphore, #tpu.memory_space<semaphore_mem>>) src(%dma_wait3A_375 : memref<201x128xf32, #tpu.memory_space<vmem_shared>>) dst(%dma_wait3A_369 : memref<128x128xf32, #tpu.memory_space<vmem>>)
      %add3A_378 = arith.constant 0 : i32
      %add3A_379 = arith.addi %mul3A_108, %add3A_378 : i32
      %mul3A_380 = arith.constant 128 : i32
      %mul3A_381 = arith.muli %add3A_379, %mul3A_380 : i32
      %add3A_382 = arith.addi %mul3A_7, %mul3A_381 : i32
      %dma_start3A_383 = arith.constant 0 : i32
      %dma_start3A_384 = arith.constant 0 : i32
      %dma_start3A_385 = arith.constant 0 : i32
      %dma_start3A_386 = arith.constant 0 : i32
      %dma_start3A_387 = tpu.memref_slice %arg9[%dma_start3A_383, %dma_start3A_385, %dma_start3A_386] : memref<5x128x128xf32, #tpu.memory_space<vmem>> -> memref<1x128x128xf32, #tpu.memory_space<vmem>>
      %dma_start3A_388 = tpu.memref_squeeze %dma_start3A_387 : memref<1x128x128xf32, #tpu.memory_space<vmem>> -> memref<128x128xf32, #tpu.memory_space<vmem>>
      %dma_start3A_389 = arith.constant 0 : i32
      %dma_start3A_390 = tpu.memref_slice %arg6[%add3A_382, %dma_start3A_389] : memref<819200x128xf32, #tpu.memory_space<hbm>> -> memref<128x128xf32, #tpu.memory_space<hbm>>
      %dma_start3A_391 = tpu.memref_slice %arg13[%dma_start3A_384] : memref<5x!tpu.dma_semaphore, #tpu.memory_space<semaphore_mem>> -> memref<1x!tpu.dma_semaphore, #tpu.memory_space<semaphore_mem>>
      %dma_start3A_392 = tpu.memref_squeeze %dma_start3A_391 : memref<1x!tpu.dma_semaphore, #tpu.memory_space<semaphore_mem>> -> memref<!tpu.dma_semaphore, #tpu.memory_space<semaphore_mem>>
      %dma_start3A_393 = arith.constant 0 : i32
      %dma_start3A_394 = tpu.memref_slice %arg6[%add3A_382, %dma_start3A_393] : memref<819200x128xf32, #tpu.memory_space<hbm>> -> memref<128x128xf32, #tpu.memory_space<hbm>>
      %dma_start3A_395 = arith.constant 0 : i32
      %dma_start3A_396 = arith.constant 0 : i32
      %dma_start3A_397 = tpu.memref_slice %arg9[%dma_start3A_383, %dma_start3A_395, %dma_start3A_396] : memref<5x128x128xf32, #tpu.memory_space<vmem>> -> memref<1x128x128xf32, #tpu.memory_space<vmem>>
      %dma_start3A_398 = tpu.memref_squeeze %dma_start3A_397 : memref<1x128x128xf32, #tpu.memory_space<vmem>> -> memref<128x128xf32, #tpu.memory_space<vmem>>
      tpu.enqueue_dma source(%dma_start3A_398 : memref<128x128xf32, #tpu.memory_space<vmem>>) target(%dma_start3A_394 : memref<128x128xf32, #tpu.memory_space<hbm>>) target_semaphore(%dma_start3A_392 : memref<!tpu.dma_semaphore, #tpu.memory_space<semaphore_mem>>)
      %dma_wait3A_399 = arith.constant 1 : i32
      %dma_wait3A_400 = arith.constant 1 : i32
      %dma_wait3A_401 = arith.constant 1 : i32
      %dma_wait3A_402 = arith.constant 0 : i32
      %dma_wait3A_403 = arith.constant 0 : i32
      %dma_wait3A_404 = tpu.memref_slice %arg9[%dma_wait3A_400, %dma_wait3A_402, %dma_wait3A_403] : memref<5x128x128xf32, #tpu.memory_space<vmem>> -> memref<1x128x128xf32, #tpu.memory_space<vmem>>
      %dma_wait3A_405 = tpu.memref_squeeze %dma_wait3A_404 : memref<1x128x128xf32, #tpu.memory_space<vmem>> -> memref<128x128xf32, #tpu.memory_space<vmem>>
      %dma_wait3A_406 = arith.constant 0 : i32
      %dma_wait3A_407 = tpu.memref_slice %arg8[%rem3A_106, %dma_wait3A_399, %dma_wait3A_406] : memref<2x5x128xi32, #tpu.memory_space<vmem>> -> memref<1x1x128xi32, #tpu.memory_space<vmem>>
      %dma_wait3A_408 = tpu.memref_squeeze %dma_wait3A_407 : memref<1x1x128xi32, #tpu.memory_space<vmem>> -> memref<128xi32, #tpu.memory_space<vmem>>
      %dma_wait3A_409 = arith.constant 0 : i32
      %dma_wait3A_410 = arith.constant 0 : i32
      %dma_wait3A_411 = tpu.memref_slice %arg10[%dma_wait3A_409, %dma_wait3A_410] : memref<201x128xf32, #tpu.memory_space<vmem_shared>> -> memref<201x128xf32, #tpu.memory_space<vmem_shared>>
      %dma_wait3A_412 = tpu.memref_slice %arg12[%dma_wait3A_401] : memref<5x!tpu.dma_semaphore, #tpu.memory_space<semaphore_mem>> -> memref<1x!tpu.dma_semaphore, #tpu.memory_space<semaphore_mem>>
      %dma_wait3A_413 = tpu.memref_squeeze %dma_wait3A_412 : memref<1x!tpu.dma_semaphore, #tpu.memory_space<semaphore_mem>> -> memref<!tpu.dma_semaphore, #tpu.memory_space<semaphore_mem>>
      tpu.wait_indirect_dma semaphore(%dma_wait3A_413 : memref<!tpu.dma_semaphore, #tpu.memory_space<semaphore_mem>>) src(%dma_wait3A_411 : memref<201x128xf32, #tpu.memory_space<vmem_shared>>) dst(%dma_wait3A_405 : memref<128x128xf32, #tpu.memory_space<vmem>>)
      %add3A_414 = arith.constant 1 : i32
      %add3A_415 = arith.addi %mul3A_108, %add3A_414 : i32
      %mul3A_416 = arith.constant 128 : i32
      %mul3A_417 = arith.muli %add3A_415, %mul3A_416 : i32
      %add3A_418 = arith.addi %mul3A_7, %mul3A_417 : i32
      %dma_start3A_419 = arith.constant 1 : i32
      %dma_start3A_420 = arith.constant 1 : i32
      %dma_start3A_421 = arith.constant 0 : i32
      %dma_start3A_422 = arith.constant 0 : i32
      %dma_start3A_423 = tpu.memref_slice %arg9[%dma_start3A_419, %dma_start3A_421, %dma_start3A_422] : memref<5x128x128xf32, #tpu.memory_space<vmem>> -> memref<1x128x128xf32, #tpu.memory_space<vmem>>
      %dma_start3A_424 = tpu.memref_squeeze %dma_start3A_423 : memref<1x128x128xf32, #tpu.memory_space<vmem>> -> memref<128x128xf32, #tpu.memory_space<vmem>>
      %dma_start3A_425 = arith.constant 0 : i32
      %dma_start3A_426 = tpu.memref_slice %arg6[%add3A_418, %dma_start3A_425] : memref<819200x128xf32, #tpu.memory_space<hbm>> -> memref<128x128xf32, #tpu.memory_space<hbm>>
      %dma_start3A_427 = tpu.memref_slice %arg13[%dma_start3A_420] : memref<5x!tpu.dma_semaphore, #tpu.memory_space<semaphore_mem>> -> memref<1x!tpu.dma_semaphore, #tpu.memory_space<semaphore_mem>>
      %dma_start3A_428 = tpu.memref_squeeze %dma_start3A_427 : memref<1x!tpu.dma_semaphore, #tpu.memory_space<semaphore_mem>> -> memref<!tpu.dma_semaphore, #tpu.memory_space<semaphore_mem>>
      %dma_start3A_429 = arith.constant 0 : i32
      %dma_start3A_430 = tpu.memref_slice %arg6[%add3A_418, %dma_start3A_429] : memref<819200x128xf32, #tpu.memory_space<hbm>> -> memref<128x128xf32, #tpu.memory_space<hbm>>
      %dma_start3A_431 = arith.constant 0 : i32
      %dma_start3A_432 = arith.constant 0 : i32
      %dma_start3A_433 = tpu.memref_slice %arg9[%dma_start3A_419, %dma_start3A_431, %dma_start3A_432] : memref<5x128x128xf32, #tpu.memory_space<vmem>> -> memref<1x128x128xf32, #tpu.memory_space<vmem>>
      %dma_start3A_434 = tpu.memref_squeeze %dma_start3A_433 : memref<1x128x128xf32, #tpu.memory_space<vmem>> -> memref<128x128xf32, #tpu.memory_space<vmem>>
      tpu.enqueue_dma source(%dma_start3A_434 : memref<128x128xf32, #tpu.memory_space<vmem>>) target(%dma_start3A_430 : memref<128x128xf32, #tpu.memory_space<hbm>>) target_semaphore(%dma_start3A_428 : memref<!tpu.dma_semaphore, #tpu.memory_space<semaphore_mem>>)
      %dma_wait3A_435 = arith.constant 2 : i32
      %dma_wait3A_436 = arith.constant 2 : i32
      %dma_wait3A_437 = arith.constant 2 : i32
      %dma_wait3A_438 = arith.constant 0 : i32
      %dma_wait3A_439 = arith.constant 0 : i32
      %dma_wait3A_440 = tpu.memref_slice %arg9[%dma_wait3A_436, %dma_wait3A_438, %dma_wait3A_439] : memref<5x128x128xf32, #tpu.memory_space<vmem>> -> memref<1x128x128xf32, #tpu.memory_space<vmem>>
      %dma_wait3A_441 = tpu.memref_squeeze %dma_wait3A_440 : memref<1x128x128xf32, #tpu.memory_space<vmem>> -> memref<128x128xf32, #tpu.memory_space<vmem>>
      %dma_wait3A_442 = arith.constant 0 : i32
      %dma_wait3A_443 = tpu.memref_slice %arg8[%rem3A_106, %dma_wait3A_435, %dma_wait3A_442] : memref<2x5x128xi32, #tpu.memory_space<vmem>> -> memref<1x1x128xi32, #tpu.memory_space<vmem>>
      %dma_wait3A_444 = tpu.memref_squeeze %dma_wait3A_443 : memref<1x1x128xi32, #tpu.memory_space<vmem>> -> memref<128xi32, #tpu.memory_space<vmem>>
      %dma_wait3A_445 = arith.constant 0 : i32
      %dma_wait3A_446 = arith.constant 0 : i32
      %dma_wait3A_447 = tpu.memref_slice %arg10[%dma_wait3A_445, %dma_wait3A_446] : memref<201x128xf32, #tpu.memory_space<vmem_shared>> -> memref<201x128xf32, #tpu.memory_space<vmem_shared>>
      %dma_wait3A_448 = tpu.memref_slice %arg12[%dma_wait3A_437] : memref<5x!tpu.dma_semaphore, #tpu.memory_space<semaphore_mem>> -> memref<1x!tpu.dma_semaphore, #tpu.memory_space<semaphore_mem>>
      %dma_wait3A_449 = tpu.memref_squeeze %dma_wait3A_448 : memref<1x!tpu.dma_semaphore, #tpu.memory_space<semaphore_mem>> -> memref<!tpu.dma_semaphore, #tpu.memory_space<semaphore_mem>>
      tpu.wait_indirect_dma semaphore(%dma_wait3A_449 : memref<!tpu.dma_semaphore, #tpu.memory_space<semaphore_mem>>) src(%dma_wait3A_447 : memref<201x128xf32, #tpu.memory_space<vmem_shared>>) dst(%dma_wait3A_441 : memref<128x128xf32, #tpu.memory_space<vmem>>)
      %add3A_450 = arith.constant 2 : i32
      %add3A_451 = arith.addi %mul3A_108, %add3A_450 : i32
      %mul3A_452 = arith.constant 128 : i32
      %mul3A_453 = arith.muli %add3A_451, %mul3A_452 : i32
      %add3A_454 = arith.addi %mul3A_7, %mul3A_453 : i32
      %dma_start3A_455 = arith.constant 2 : i32
      %dma_start3A_456 = arith.constant 2 : i32
      %dma_start3A_457 = arith.constant 0 : i32
      %dma_start3A_458 = arith.constant 0 : i32
      %dma_start3A_459 = tpu.memref_slice %arg9[%dma_start3A_455, %dma_start3A_457, %dma_start3A_458] : memref<5x128x128xf32, #tpu.memory_space<vmem>> -> memref<1x128x128xf32, #tpu.memory_space<vmem>>
      %dma_start3A_460 = tpu.memref_squeeze %dma_start3A_459 : memref<1x128x128xf32, #tpu.memory_space<vmem>> -> memref<128x128xf32, #tpu.memory_space<vmem>>
      %dma_start3A_461 = arith.constant 0 : i32
      %dma_start3A_462 = tpu.memref_slice %arg6[%add3A_454, %dma_start3A_461] : memref<819200x128xf32, #tpu.memory_space<hbm>> -> memref<128x128xf32, #tpu.memory_space<hbm>>
      %dma_start3A_463 = tpu.memref_slice %arg13[%dma_start3A_456] : memref<5x!tpu.dma_semaphore, #tpu.memory_space<semaphore_mem>> -> memref<1x!tpu.dma_semaphore, #tpu.memory_space<semaphore_mem>>
      %dma_start3A_464 = tpu.memref_squeeze %dma_start3A_463 : memref<1x!tpu.dma_semaphore, #tpu.memory_space<semaphore_mem>> -> memref<!tpu.dma_semaphore, #tpu.memory_space<semaphore_mem>>
      %dma_start3A_465 = arith.constant 0 : i32
      %dma_start3A_466 = tpu.memref_slice %arg6[%add3A_454, %dma_start3A_465] : memref<819200x128xf32, #tpu.memory_space<hbm>> -> memref<128x128xf32, #tpu.memory_space<hbm>>
      %dma_start3A_467 = arith.constant 0 : i32
      %dma_start3A_468 = arith.constant 0 : i32
      %dma_start3A_469 = tpu.memref_slice %arg9[%dma_start3A_455, %dma_start3A_467, %dma_start3A_468] : memref<5x128x128xf32, #tpu.memory_space<vmem>> -> memref<1x128x128xf32, #tpu.memory_space<vmem>>
      %dma_start3A_470 = tpu.memref_squeeze %dma_start3A_469 : memref<1x128x128xf32, #tpu.memory_space<vmem>> -> memref<128x128xf32, #tpu.memory_space<vmem>>
      tpu.enqueue_dma source(%dma_start3A_470 : memref<128x128xf32, #tpu.memory_space<vmem>>) target(%dma_start3A_466 : memref<128x128xf32, #tpu.memory_space<hbm>>) target_semaphore(%dma_start3A_464 : memref<!tpu.dma_semaphore, #tpu.memory_space<semaphore_mem>>)
      %dma_wait3A_471 = arith.constant 3 : i32
      %dma_wait3A_472 = arith.constant 3 : i32
      %dma_wait3A_473 = arith.constant 3 : i32
      %dma_wait3A_474 = arith.constant 0 : i32
      %dma_wait3A_475 = arith.constant 0 : i32
      %dma_wait3A_476 = tpu.memref_slice %arg9[%dma_wait3A_472, %dma_wait3A_474, %dma_wait3A_475] : memref<5x128x128xf32, #tpu.memory_space<vmem>> -> memref<1x128x128xf32, #tpu.memory_space<vmem>>
      %dma_wait3A_477 = tpu.memref_squeeze %dma_wait3A_476 : memref<1x128x128xf32, #tpu.memory_space<vmem>> -> memref<128x128xf32, #tpu.memory_space<vmem>>
      %dma_wait3A_478 = arith.constant 0 : i32
      %dma_wait3A_479 = tpu.memref_slice %arg8[%rem3A_106, %dma_wait3A_471, %dma_wait3A_478] : memref<2x5x128xi32, #tpu.memory_space<vmem>> -> memref<1x1x128xi32, #tpu.memory_space<vmem>>
      %dma_wait3A_480 = tpu.memref_squeeze %dma_wait3A_479 : memref<1x1x128xi32, #tpu.memory_space<vmem>> -> memref<128xi32, #tpu.memory_space<vmem>>
      %dma_wait3A_481 = arith.constant 0 : i32
      %dma_wait3A_482 = arith.constant 0 : i32
      %dma_wait3A_483 = tpu.memref_slice %arg10[%dma_wait3A_481, %dma_wait3A_482] : memref<201x128xf32, #tpu.memory_space<vmem_shared>> -> memref<201x128xf32, #tpu.memory_space<vmem_shared>>
      %dma_wait3A_484 = tpu.memref_slice %arg12[%dma_wait3A_473] : memref<5x!tpu.dma_semaphore, #tpu.memory_space<semaphore_mem>> -> memref<1x!tpu.dma_semaphore, #tpu.memory_space<semaphore_mem>>
      %dma_wait3A_485 = tpu.memref_squeeze %dma_wait3A_484 : memref<1x!tpu.dma_semaphore, #tpu.memory_space<semaphore_mem>> -> memref<!tpu.dma_semaphore, #tpu.memory_space<semaphore_mem>>
      tpu.wait_indirect_dma semaphore(%dma_wait3A_485 : memref<!tpu.dma_semaphore, #tpu.memory_space<semaphore_mem>>) src(%dma_wait3A_483 : memref<201x128xf32, #tpu.memory_space<vmem_shared>>) dst(%dma_wait3A_477 : memref<128x128xf32, #tpu.memory_space<vmem>>)
      %add3A_486 = arith.constant 3 : i32
      %add3A_487 = arith.addi %mul3A_108, %add3A_486 : i32
      %mul3A_488 = arith.constant 128 : i32
      %mul3A_489 = arith.muli %add3A_487, %mul3A_488 : i32
      %add3A_490 = arith.addi %mul3A_7, %mul3A_489 : i32
      %dma_start3A_491 = arith.constant 3 : i32
      %dma_start3A_492 = arith.constant 3 : i32
      %dma_start3A_493 = arith.constant 0 : i32
      %dma_start3A_494 = arith.constant 0 : i32
      %dma_start3A_495 = tpu.memref_slice %arg9[%dma_start3A_491, %dma_start3A_493, %dma_start3A_494] : memref<5x128x128xf32, #tpu.memory_space<vmem>> -> memref<1x128x128xf32, #tpu.memory_space<vmem>>
      %dma_start3A_496 = tpu.memref_squeeze %dma_start3A_495 : memref<1x128x128xf32, #tpu.memory_space<vmem>> -> memref<128x128xf32, #tpu.memory_space<vmem>>
      %dma_start3A_497 = arith.constant 0 : i32
      %dma_start3A_498 = tpu.memref_slice %arg6[%add3A_490, %dma_start3A_497] : memref<819200x128xf32, #tpu.memory_space<hbm>> -> memref<128x128xf32, #tpu.memory_space<hbm>>
      %dma_start3A_499 = tpu.memref_slice %arg13[%dma_start3A_492] : memref<5x!tpu.dma_semaphore, #tpu.memory_space<semaphore_mem>> -> memref<1x!tpu.dma_semaphore, #tpu.memory_space<semaphore_mem>>
      %dma_start3A_500 = tpu.memref_squeeze %dma_start3A_499 : memref<1x!tpu.dma_semaphore, #tpu.memory_space<semaphore_mem>> -> memref<!tpu.dma_semaphore, #tpu.memory_space<semaphore_mem>>
      %dma_start3A_501 = arith.constant 0 : i32
      %dma_start3A_502 = tpu.memref_slice %arg6[%add3A_490, %dma_start3A_501] : memref<819200x128xf32, #tpu.memory_space<hbm>> -> memref<128x128xf32, #tpu.memory_space<hbm>>
      %dma_start3A_503 = arith.constant 0 : i32
      %dma_start3A_504 = arith.constant 0 : i32
      %dma_start3A_505 = tpu.memref_slice %arg9[%dma_start3A_491, %dma_start3A_503, %dma_start3A_504] : memref<5x128x128xf32, #tpu.memory_space<vmem>> -> memref<1x128x128xf32, #tpu.memory_space<vmem>>
      %dma_start3A_506 = tpu.memref_squeeze %dma_start3A_505 : memref<1x128x128xf32, #tpu.memory_space<vmem>> -> memref<128x128xf32, #tpu.memory_space<vmem>>
      tpu.enqueue_dma source(%dma_start3A_506 : memref<128x128xf32, #tpu.memory_space<vmem>>) target(%dma_start3A_502 : memref<128x128xf32, #tpu.memory_space<hbm>>) target_semaphore(%dma_start3A_500 : memref<!tpu.dma_semaphore, #tpu.memory_space<semaphore_mem>>)
      %dma_wait3A_507 = arith.constant 4 : i32
      %dma_wait3A_508 = arith.constant 4 : i32
      %dma_wait3A_509 = arith.constant 4 : i32
      %dma_wait3A_510 = arith.constant 0 : i32
      %dma_wait3A_511 = arith.constant 0 : i32
      %dma_wait3A_512 = tpu.memref_slice %arg9[%dma_wait3A_508, %dma_wait3A_510, %dma_wait3A_511] : memref<5x128x128xf32, #tpu.memory_space<vmem>> -> memref<1x128x128xf32, #tpu.memory_space<vmem>>
      %dma_wait3A_513 = tpu.memref_squeeze %dma_wait3A_512 : memref<1x128x128xf32, #tpu.memory_space<vmem>> -> memref<128x128xf32, #tpu.memory_space<vmem>>
      %dma_wait3A_514 = arith.constant 0 : i32
      %dma_wait3A_515 = tpu.memref_slice %arg8[%rem3A_106, %dma_wait3A_507, %dma_wait3A_514] : memref<2x5x128xi32, #tpu.memory_space<vmem>> -> memref<1x1x128xi32, #tpu.memory_space<vmem>>
      %dma_wait3A_516 = tpu.memref_squeeze %dma_wait3A_515 : memref<1x1x128xi32, #tpu.memory_space<vmem>> -> memref<128xi32, #tpu.memory_space<vmem>>
      %dma_wait3A_517 = arith.constant 0 : i32
      %dma_wait3A_518 = arith.constant 0 : i32
      %dma_wait3A_519 = tpu.memref_slice %arg10[%dma_wait3A_517, %dma_wait3A_518] : memref<201x128xf32, #tpu.memory_space<vmem_shared>> -> memref<201x128xf32, #tpu.memory_space<vmem_shared>>
      %dma_wait3A_520 = tpu.memref_slice %arg12[%dma_wait3A_509] : memref<5x!tpu.dma_semaphore, #tpu.memory_space<semaphore_mem>> -> memref<1x!tpu.dma_semaphore, #tpu.memory_space<semaphore_mem>>
      %dma_wait3A_521 = tpu.memref_squeeze %dma_wait3A_520 : memref<1x!tpu.dma_semaphore, #tpu.memory_space<semaphore_mem>> -> memref<!tpu.dma_semaphore, #tpu.memory_space<semaphore_mem>>
      tpu.wait_indirect_dma semaphore(%dma_wait3A_521 : memref<!tpu.dma_semaphore, #tpu.memory_space<semaphore_mem>>) src(%dma_wait3A_519 : memref<201x128xf32, #tpu.memory_space<vmem_shared>>) dst(%dma_wait3A_513 : memref<128x128xf32, #tpu.memory_space<vmem>>)
      %add3A_522 = arith.constant 4 : i32
      %add3A_523 = arith.addi %mul3A_108, %add3A_522 : i32
      %mul3A_524 = arith.constant 128 : i32
      %mul3A_525 = arith.muli %add3A_523, %mul3A_524 : i32
      %add3A_526 = arith.addi %mul3A_7, %mul3A_525 : i32
      %dma_start3A_527 = arith.constant 4 : i32
      %dma_start3A_528 = arith.constant 4 : i32
      %dma_start3A_529 = arith.constant 0 : i32
      %dma_start3A_530 = arith.constant 0 : i32
      %dma_start3A_531 = tpu.memref_slice %arg9[%dma_start3A_527, %dma_start3A_529, %dma_start3A_530] : memref<5x128x128xf32, #tpu.memory_space<vmem>> -> memref<1x128x128xf32, #tpu.memory_space<vmem>>
      %dma_start3A_532 = tpu.memref_squeeze %dma_start3A_531 : memref<1x128x128xf32, #tpu.memory_space<vmem>> -> memref<128x128xf32, #tpu.memory_space<vmem>>
      %dma_start3A_533 = arith.constant 0 : i32
      %dma_start3A_534 = tpu.memref_slice %arg6[%add3A_526, %dma_start3A_533] : memref<819200x128xf32, #tpu.memory_space<hbm>> -> memref<128x128xf32, #tpu.memory_space<hbm>>
      %dma_start3A_535 = tpu.memref_slice %arg13[%dma_start3A_528] : memref<5x!tpu.dma_semaphore, #tpu.memory_space<semaphore_mem>> -> memref<1x!tpu.dma_semaphore, #tpu.memory_space<semaphore_mem>>
      %dma_start3A_536 = tpu.memref_squeeze %dma_start3A_535 : memref<1x!tpu.dma_semaphore, #tpu.memory_space<semaphore_mem>> -> memref<!tpu.dma_semaphore, #tpu.memory_space<semaphore_mem>>
      %dma_start3A_537 = arith.constant 0 : i32
      %dma_start3A_538 = tpu.memref_slice %arg6[%add3A_526, %dma_start3A_537] : memref<819200x128xf32, #tpu.memory_space<hbm>> -> memref<128x128xf32, #tpu.memory_space<hbm>>
      %dma_start3A_539 = arith.constant 0 : i32
      %dma_start3A_540 = arith.constant 0 : i32
      %dma_start3A_541 = tpu.memref_slice %arg9[%dma_start3A_527, %dma_start3A_539, %dma_start3A_540] : memref<5x128x128xf32, #tpu.memory_space<vmem>> -> memref<1x128x128xf32, #tpu.memory_space<vmem>>
      %dma_start3A_542 = tpu.memref_squeeze %dma_start3A_541 : memref<1x128x128xf32, #tpu.memory_space<vmem>> -> memref<128x128xf32, #tpu.memory_space<vmem>>
      tpu.enqueue_dma source(%dma_start3A_542 : memref<128x128xf32, #tpu.memory_space<vmem>>) target(%dma_start3A_538 : memref<128x128xf32, #tpu.memory_space<hbm>>) target_semaphore(%dma_start3A_536 : memref<!tpu.dma_semaphore, #tpu.memory_space<semaphore_mem>>)
      %add3A_543 = arith.constant 1 : i32
      %add3A_544 = arith.addi %add3A_105, %add3A_543 : i32
      %lt3A_545 = arith.constant 40 : i32
      %lt3A_546 = arith.cmpi slt, %add3A_544, %lt3A_545 : i32
      %convert_element_type3A_547 = arith.extui %lt3A_546 : i1 to i32
      %cond3A_548 = arith.constant 0 : i32
      %cond3A_549 = arith.cmpi ne, %convert_element_type3A_547, %cond3A_548 : i32
      scf.if %cond3A_549 {
        %sub3A = arith.constant 1 : i32
        %sub3A_550 = arith.subi %sub3A, %rem3A_106 : i32
        %dma_wait3A_551 = arith.constant 0 : i32
        %dma_wait3A_552 = arith.constant 0 : i32
        %dma_wait3A_553 = arith.constant 0 : i32
        %dma_wait3A_554 = tpu.memref_slice %arg7[%sub3A_550, %dma_wait3A_552, %dma_wait3A_553] : memref<2x5x128xi32, #tpu.memory_space<vmem>> -> memref<1x5x128xi32, #tpu.memory_space<vmem>>
        %dma_wait3A_555 = tpu.memref_squeeze %dma_wait3A_554 : memref<1x5x128xi32, #tpu.memory_space<vmem>> -> memref<5x128xi32, #tpu.memory_space<vmem>>
        %dma_wait3A_556 = arith.constant 0 : i32
        %dma_wait3A_557 = arith.constant 0 : i32
        %dma_wait3A_558 = tpu.memref_slice %arg2[%add3A, %dma_wait3A_551, %dma_wait3A_556, %dma_wait3A_557] : memref<32x40x5x128xi32, #tpu.memory_space<hbm>> -> memref<1x1x5x128xi32, #tpu.memory_space<hbm>>
        %dma_wait3A_559 = tpu.memref_squeeze %dma_wait3A_558 : memref<1x1x5x128xi32, #tpu.memory_space<hbm>> -> memref<5x128xi32, #tpu.memory_space<hbm>>
        %dma_wait3A_560 = arith.constant 0 : i32
        %dma_wait3A_561 = arith.constant 0 : i32
        %dma_wait3A_562 = tpu.memref_slice %arg7[%sub3A_550, %dma_wait3A_560, %dma_wait3A_561] : memref<2x5x128xi32, #tpu.memory_space<vmem>> -> memref<1x5x128xi32, #tpu.memory_space<vmem>>
        %dma_wait3A_563 = tpu.memref_squeeze %dma_wait3A_562 : memref<1x5x128xi32, #tpu.memory_space<vmem>> -> memref<5x128xi32, #tpu.memory_space<vmem>>
        %dma_wait3A_564 = arith.constant 0 : i32
        %dma_wait3A_565 = arith.constant 0 : i32
        %dma_wait3A_566 = tpu.memref_slice %arg2[%add3A, %dma_wait3A_551, %dma_wait3A_564, %dma_wait3A_565] : memref<32x40x5x128xi32, #tpu.memory_space<hbm>> -> memref<1x1x5x128xi32, #tpu.memory_space<hbm>>
        %dma_wait3A_567 = tpu.memref_squeeze %dma_wait3A_566 : memref<1x1x5x128xi32, #tpu.memory_space<hbm>> -> memref<5x128xi32, #tpu.memory_space<hbm>>
        tpu.wait_dma2 semaphore(%arg14 : memref<!tpu.dma_semaphore, #tpu.memory_space<semaphore_mem>>) src(%dma_wait3A_567 : memref<5x128xi32, #tpu.memory_space<hbm>>) dst(%dma_wait3A_563 : memref<5x128xi32, #tpu.memory_space<vmem>>)
        %sub3A_568 = arith.constant 1 : i32
        %sub3A_569 = arith.subi %sub3A_568, %rem3A_106 : i32
        %dma_wait3A_570 = arith.constant 0 : i32
        %dma_wait3A_571 = arith.constant 0 : i32
        %dma_wait3A_572 = arith.constant 0 : i32
        %dma_wait3A_573 = tpu.memref_slice %arg8[%sub3A_569, %dma_wait3A_571, %dma_wait3A_572] : memref<2x5x128xi32, #tpu.memory_space<vmem>> -> memref<1x5x128xi32, #tpu.memory_space<vmem>>
        %dma_wait3A_574 = tpu.memref_squeeze %dma_wait3A_573 : memref<1x5x128xi32, #tpu.memory_space<vmem>> -> memref<5x128xi32, #tpu.memory_space<vmem>>
        %dma_wait3A_575 = arith.constant 0 : i32
        %dma_wait3A_576 = arith.constant 0 : i32
        %dma_wait3A_577 = tpu.memref_slice %arg3[%add3A, %dma_wait3A_570, %dma_wait3A_575, %dma_wait3A_576] : memref<32x40x5x128xi32, #tpu.memory_space<hbm>> -> memref<1x1x5x128xi32, #tpu.memory_space<hbm>>
        %dma_wait3A_578 = tpu.memref_squeeze %dma_wait3A_577 : memref<1x1x5x128xi32, #tpu.memory_space<hbm>> -> memref<5x128xi32, #tpu.memory_space<hbm>>
        %dma_wait3A_579 = arith.constant 0 : i32
        %dma_wait3A_580 = arith.constant 0 : i32
        %dma_wait3A_581 = tpu.memref_slice %arg8[%sub3A_569, %dma_wait3A_579, %dma_wait3A_580] : memref<2x5x128xi32, #tpu.memory_space<vmem>> -> memref<1x5x128xi32, #tpu.memory_space<vmem>>
        %dma_wait3A_582 = tpu.memref_squeeze %dma_wait3A_581 : memref<1x5x128xi32, #tpu.memory_space<vmem>> -> memref<5x128xi32, #tpu.memory_space<vmem>>
        %dma_wait3A_583 = arith.constant 0 : i32
        %dma_wait3A_584 = arith.constant 0 : i32
        %dma_wait3A_585 = tpu.memref_slice %arg3[%add3A, %dma_wait3A_570, %dma_wait3A_583, %dma_wait3A_584] : memref<32x40x5x128xi32, #tpu.memory_space<hbm>> -> memref<1x1x5x128xi32, #tpu.memory_space<hbm>>
        %dma_wait3A_586 = tpu.memref_squeeze %dma_wait3A_585 : memref<1x1x5x128xi32, #tpu.memory_space<hbm>> -> memref<5x128xi32, #tpu.memory_space<hbm>>
        tpu.wait_dma2 semaphore(%arg15 : memref<!tpu.dma_semaphore, #tpu.memory_space<semaphore_mem>>) src(%dma_wait3A_586 : memref<5x128xi32, #tpu.memory_space<hbm>>) dst(%dma_wait3A_582 : memref<5x128xi32, #tpu.memory_space<vmem>>)
      } else {
      }
    }
    %scan3A_11 = arith.constant 40 : i32
    %add3A_12 = arith.constant 24960 : i32
    %add3A_13 = arith.addi %mul3A_7, %add3A_12 : i32
    %dma_wait3A = arith.constant 0 : i32
    %dma_wait3A_14 = arith.constant 0 : i32
    %dma_wait3A_15 = arith.constant 0 : i32
    %dma_wait3A_16 = arith.constant 0 : i32
    %dma_wait3A_17 = tpu.memref_slice %arg9[%dma_wait3A, %dma_wait3A_15, %dma_wait3A_16] : memref<5x128x128xf32, #tpu.memory_space<vmem>> -> memref<1x128x128xf32, #tpu.memory_space<vmem>>
    %dma_wait3A_18 = tpu.memref_squeeze %dma_wait3A_17 : memref<1x128x128xf32, #tpu.memory_space<vmem>> -> memref<128x128xf32, #tpu.memory_space<vmem>>
    %dma_wait3A_19 = arith.constant 0 : i32
    %dma_wait3A_20 = tpu.memref_slice %arg6[%add3A_13, %dma_wait3A_19] : memref<819200x128xf32, #tpu.memory_space<hbm>> -> memref<128x128xf32, #tpu.memory_space<hbm>>
    %dma_wait3A_21 = tpu.memref_slice %arg13[%dma_wait3A_14] : memref<5x!tpu.dma_semaphore, #tpu.memory_space<semaphore_mem>> -> memref<1x!tpu.dma_semaphore, #tpu.memory_space<semaphore_mem>>
    %dma_wait3A_22 = tpu.memref_squeeze %dma_wait3A_21 : memref<1x!tpu.dma_semaphore, #tpu.memory_space<semaphore_mem>> -> memref<!tpu.dma_semaphore, #tpu.memory_space<semaphore_mem>>
    %dma_wait3A_23 = arith.constant 0 : i32
    %dma_wait3A_24 = tpu.memref_slice %arg6[%add3A_13, %dma_wait3A_23] : memref<819200x128xf32, #tpu.memory_space<hbm>> -> memref<128x128xf32, #tpu.memory_space<hbm>>
    %dma_wait3A_25 = arith.constant 0 : i32
    %dma_wait3A_26 = arith.constant 0 : i32
    %dma_wait3A_27 = tpu.memref_slice %arg9[%dma_wait3A, %dma_wait3A_25, %dma_wait3A_26] : memref<5x128x128xf32, #tpu.memory_space<vmem>> -> memref<1x128x128xf32, #tpu.memory_space<vmem>>
    %dma_wait3A_28 = tpu.memref_squeeze %dma_wait3A_27 : memref<1x128x128xf32, #tpu.memory_space<vmem>> -> memref<128x128xf32, #tpu.memory_space<vmem>>
    tpu.wait_dma2 semaphore(%dma_wait3A_22 : memref<!tpu.dma_semaphore, #tpu.memory_space<semaphore_mem>>) src(%dma_wait3A_28 : memref<128x128xf32, #tpu.memory_space<vmem>>) dst(%dma_wait3A_24 : memref<128x128xf32, #tpu.memory_space<hbm>>)
    %add3A_29 = arith.constant 25088 : i32
    %add3A_30 = arith.addi %mul3A_7, %add3A_29 : i32
    %dma_wait3A_31 = arith.constant 1 : i32
    %dma_wait3A_32 = arith.constant 1 : i32
    %dma_wait3A_33 = arith.constant 0 : i32
    %dma_wait3A_34 = arith.constant 0 : i32
    %dma_wait3A_35 = tpu.memref_slice %arg9[%dma_wait3A_31, %dma_wait3A_33, %dma_wait3A_34] : memref<5x128x128xf32, #tpu.memory_space<vmem>> -> memref<1x128x128xf32, #tpu.memory_space<vmem>>
    %dma_wait3A_36 = tpu.memref_squeeze %dma_wait3A_35 : memref<1x128x128xf32, #tpu.memory_space<vmem>> -> memref<128x128xf32, #tpu.memory_space<vmem>>
    %dma_wait3A_37 = arith.constant 0 : i32
    %dma_wait3A_38 = tpu.memref_slice %arg6[%add3A_30, %dma_wait3A_37] : memref<819200x128xf32, #tpu.memory_space<hbm>> -> memref<128x128xf32, #tpu.memory_space<hbm>>
    %dma_wait3A_39 = tpu.memref_slice %arg13[%dma_wait3A_32] : memref<5x!tpu.dma_semaphore, #tpu.memory_space<semaphore_mem>> -> memref<1x!tpu.dma_semaphore, #tpu.memory_space<semaphore_mem>>
    %dma_wait3A_40 = tpu.memref_squeeze %dma_wait3A_39 : memref<1x!tpu.dma_semaphore, #tpu.memory_space<semaphore_mem>> -> memref<!tpu.dma_semaphore, #tpu.memory_space<semaphore_mem>>
    %dma_wait3A_41 = arith.constant 0 : i32
    %dma_wait3A_42 = tpu.memref_slice %arg6[%add3A_30, %dma_wait3A_41] : memref<819200x128xf32, #tpu.memory_space<hbm>> -> memref<128x128xf32, #tpu.memory_space<hbm>>
    %dma_wait3A_43 = arith.constant 0 : i32
    %dma_wait3A_44 = arith.constant 0 : i32
    %dma_wait3A_45 = tpu.memref_slice %arg9[%dma_wait3A_31, %dma_wait3A_43, %dma_wait3A_44] : memref<5x128x128xf32, #tpu.memory_space<vmem>> -> memref<1x128x128xf32, #tpu.memory_space<vmem>>
    %dma_wait3A_46 = tpu.memref_squeeze %dma_wait3A_45 : memref<1x128x128xf32, #tpu.memory_space<vmem>> -> memref<128x128xf32, #tpu.memory_space<vmem>>
    tpu.wait_dma2 semaphore(%dma_wait3A_40 : memref<!tpu.dma_semaphore, #tpu.memory_space<semaphore_mem>>) src(%dma_wait3A_46 : memref<128x128xf32, #tpu.memory_space<vmem>>) dst(%dma_wait3A_42 : memref<128x128xf32, #tpu.memory_space<hbm>>)
    %add3A_47 = arith.constant 25216 : i32
    %add3A_48 = arith.addi %mul3A_7, %add3A_47 : i32
    %dma_wait3A_49 = arith.constant 2 : i32
    %dma_wait3A_50 = arith.constant 2 : i32
    %dma_wait3A_51 = arith.constant 0 : i32
    %dma_wait3A_52 = arith.constant 0 : i32
    %dma_wait3A_53 = tpu.memref_slice %arg9[%dma_wait3A_49, %dma_wait3A_51, %dma_wait3A_52] : memref<5x128x128xf32, #tpu.memory_space<vmem>> -> memref<1x128x128xf32, #tpu.memory_space<vmem>>
    %dma_wait3A_54 = tpu.memref_squeeze %dma_wait3A_53 : memref<1x128x128xf32, #tpu.memory_space<vmem>> -> memref<128x128xf32, #tpu.memory_space<vmem>>
    %dma_wait3A_55 = arith.constant 0 : i32
    %dma_wait3A_56 = tpu.memref_slice %arg6[%add3A_48, %dma_wait3A_55] : memref<819200x128xf32, #tpu.memory_space<hbm>> -> memref<128x128xf32, #tpu.memory_space<hbm>>
    %dma_wait3A_57 = tpu.memref_slice %arg13[%dma_wait3A_50] : memref<5x!tpu.dma_semaphore, #tpu.memory_space<semaphore_mem>> -> memref<1x!tpu.dma_semaphore, #tpu.memory_space<semaphore_mem>>
    %dma_wait3A_58 = tpu.memref_squeeze %dma_wait3A_57 : memref<1x!tpu.dma_semaphore, #tpu.memory_space<semaphore_mem>> -> memref<!tpu.dma_semaphore, #tpu.memory_space<semaphore_mem>>
    %dma_wait3A_59 = arith.constant 0 : i32
    %dma_wait3A_60 = tpu.memref_slice %arg6[%add3A_48, %dma_wait3A_59] : memref<819200x128xf32, #tpu.memory_space<hbm>> -> memref<128x128xf32, #tpu.memory_space<hbm>>
    %dma_wait3A_61 = arith.constant 0 : i32
    %dma_wait3A_62 = arith.constant 0 : i32
    %dma_wait3A_63 = tpu.memref_slice %arg9[%dma_wait3A_49, %dma_wait3A_61, %dma_wait3A_62] : memref<5x128x128xf32, #tpu.memory_space<vmem>> -> memref<1x128x128xf32, #tpu.memory_space<vmem>>
    %dma_wait3A_64 = tpu.memref_squeeze %dma_wait3A_63 : memref<1x128x128xf32, #tpu.memory_space<vmem>> -> memref<128x128xf32, #tpu.memory_space<vmem>>
    tpu.wait_dma2 semaphore(%dma_wait3A_58 : memref<!tpu.dma_semaphore, #tpu.memory_space<semaphore_mem>>) src(%dma_wait3A_64 : memref<128x128xf32, #tpu.memory_space<vmem>>) dst(%dma_wait3A_60 : memref<128x128xf32, #tpu.memory_space<hbm>>)
    %add3A_65 = arith.constant 25344 : i32
    %add3A_66 = arith.addi %mul3A_7, %add3A_65 : i32
    %dma_wait3A_67 = arith.constant 3 : i32
    %dma_wait3A_68 = arith.constant 3 : i32
    %dma_wait3A_69 = arith.constant 0 : i32
    %dma_wait3A_70 = arith.constant 0 : i32
    %dma_wait3A_71 = tpu.memref_slice %arg9[%dma_wait3A_67, %dma_wait3A_69, %dma_wait3A_70] : memref<5x128x128xf32, #tpu.memory_space<vmem>> -> memref<1x128x128xf32, #tpu.memory_space<vmem>>
    %dma_wait3A_72 = tpu.memref_squeeze %dma_wait3A_71 : memref<1x128x128xf32, #tpu.memory_space<vmem>> -> memref<128x128xf32, #tpu.memory_space<vmem>>
    %dma_wait3A_73 = arith.constant 0 : i32
    %dma_wait3A_74 = tpu.memref_slice %arg6[%add3A_66, %dma_wait3A_73] : memref<819200x128xf32, #tpu.memory_space<hbm>> -> memref<128x128xf32, #tpu.memory_space<hbm>>
    %dma_wait3A_75 = tpu.memref_slice %arg13[%dma_wait3A_68] : memref<5x!tpu.dma_semaphore, #tpu.memory_space<semaphore_mem>> -> memref<1x!tpu.dma_semaphore, #tpu.memory_space<semaphore_mem>>
    %dma_wait3A_76 = tpu.memref_squeeze %dma_wait3A_75 : memref<1x!tpu.dma_semaphore, #tpu.memory_space<semaphore_mem>> -> memref<!tpu.dma_semaphore, #tpu.memory_space<semaphore_mem>>
    %dma_wait3A_77 = arith.constant 0 : i32
    %dma_wait3A_78 = tpu.memref_slice %arg6[%add3A_66, %dma_wait3A_77] : memref<819200x128xf32, #tpu.memory_space<hbm>> -> memref<128x128xf32, #tpu.memory_space<hbm>>
    %dma_wait3A_79 = arith.constant 0 : i32
    %dma_wait3A_80 = arith.constant 0 : i32
    %dma_wait3A_81 = tpu.memref_slice %arg9[%dma_wait3A_67, %dma_wait3A_79, %dma_wait3A_80] : memref<5x128x128xf32, #tpu.memory_space<vmem>> -> memref<1x128x128xf32, #tpu.memory_space<vmem>>
    %dma_wait3A_82 = tpu.memref_squeeze %dma_wait3A_81 : memref<1x128x128xf32, #tpu.memory_space<vmem>> -> memref<128x128xf32, #tpu.memory_space<vmem>>
    tpu.wait_dma2 semaphore(%dma_wait3A_76 : memref<!tpu.dma_semaphore, #tpu.memory_space<semaphore_mem>>) src(%dma_wait3A_82 : memref<128x128xf32, #tpu.memory_space<vmem>>) dst(%dma_wait3A_78 : memref<128x128xf32, #tpu.memory_space<hbm>>)
    %add3A_83 = arith.constant 25472 : i32
    %add3A_84 = arith.addi %mul3A_7, %add3A_83 : i32
    %dma_wait3A_85 = arith.constant 4 : i32
    %dma_wait3A_86 = arith.constant 4 : i32
    %dma_wait3A_87 = arith.constant 0 : i32
    %dma_wait3A_88 = arith.constant 0 : i32
    %dma_wait3A_89 = tpu.memref_slice %arg9[%dma_wait3A_85, %dma_wait3A_87, %dma_wait3A_88] : memref<5x128x128xf32, #tpu.memory_space<vmem>> -> memref<1x128x128xf32, #tpu.memory_space<vmem>>
    %dma_wait3A_90 = tpu.memref_squeeze %dma_wait3A_89 : memref<1x128x128xf32, #tpu.memory_space<vmem>> -> memref<128x128xf32, #tpu.memory_space<vmem>>
    %dma_wait3A_91 = arith.constant 0 : i32
    %dma_wait3A_92 = tpu.memref_slice %arg6[%add3A_84, %dma_wait3A_91] : memref<819200x128xf32, #tpu.memory_space<hbm>> -> memref<128x128xf32, #tpu.memory_space<hbm>>
    %dma_wait3A_93 = tpu.memref_slice %arg13[%dma_wait3A_86] : memref<5x!tpu.dma_semaphore, #tpu.memory_space<semaphore_mem>> -> memref<1x!tpu.dma_semaphore, #tpu.memory_space<semaphore_mem>>
    %dma_wait3A_94 = tpu.memref_squeeze %dma_wait3A_93 : memref<1x!tpu.dma_semaphore, #tpu.memory_space<semaphore_mem>> -> memref<!tpu.dma_semaphore, #tpu.memory_space<semaphore_mem>>
    %dma_wait3A_95 = arith.constant 0 : i32
    %dma_wait3A_96 = tpu.memref_slice %arg6[%add3A_84, %dma_wait3A_95] : memref<819200x128xf32, #tpu.memory_space<hbm>> -> memref<128x128xf32, #tpu.memory_space<hbm>>
    %dma_wait3A_97 = arith.constant 0 : i32
    %dma_wait3A_98 = arith.constant 0 : i32
    %dma_wait3A_99 = tpu.memref_slice %arg9[%dma_wait3A_85, %dma_wait3A_97, %dma_wait3A_98] : memref<5x128x128xf32, #tpu.memory_space<vmem>> -> memref<1x128x128xf32, #tpu.memory_space<vmem>>
    %dma_wait3A_100 = tpu.memref_squeeze %dma_wait3A_99 : memref<1x128x128xf32, #tpu.memory_space<vmem>> -> memref<128x128xf32, #tpu.memory_space<vmem>>
    tpu.wait_dma2 semaphore(%dma_wait3A_94 : memref<!tpu.dma_semaphore, #tpu.memory_space<semaphore_mem>>) src(%dma_wait3A_100 : memref<128x128xf32, #tpu.memory_space<vmem>>) dst(%dma_wait3A_96 : memref<128x128xf32, #tpu.memory_space<hbm>>)
    return
  }
}

</mosaic_0001>

<sc_bundles>
// kernel: kernel.3.cloned.1.call-start
scs
__scs_entry_jumppad:
0x0: {  	(pc) =	sbr.rel $0x88, $3  }
0x1: {  	(tag) =	ssettag $0x0;
	lr =	simm.s32 $0x1  }
0x2: {  	[smem:$0x3F9D] =	sst lr;
	_ =	strace $0xD0000000  }
0x3: {  	_ = 	snop  }
0x4: {  	_ = 	snop  }
0x5: {  	_ = 	snop  }
0x6: {  	_ = 	snop  }
0x7: {  	_ = 	snop  }
__scs_overlays_trampoline_lowered:
0x8: {  	[smem:$0x3FAC] =	sst s0  }
0x9: {  	[smem:$0x3FAD] =	sst s1  }
0xa: {  	[smem:$0x3FAE] =	sst s2  }
0xb: {  	[smem:$0x3FAF] =	sst s3  }
0xc: {  	[smem:$0x3FB0] =	sst s4  }
0xd: {  	[smem:$0x3FB1] =	sst s5  }
0xe: {  	[smem:$0x3FB2] =	sst s6  }
0xf: {  	[smem:$0x3FB3] =	sst s7  }
0x10: {  	[smem:$0x3FB4] =	sst s8  }
0x11: {  	[smem:$0x3FB5] =	sst s9;
	s0 =	simm.s32 @!p0 $0x0  }
0x12: {  	s1 =	sld [smem:$0x3F9B];
	s0 =	simm.s32 @p0 $0x1  }
0x13: {  	[smem:$0x3FB6] =	sst s0;
	s0 =	simm.s32 @!p1 $0x0  }
0x14: {  	s2 =	sld [smem:$0x3F9A];
	s0 =	simm.s32 @p1 $0x1  }
0x15: {  	[smem:$0x3FB7] =	sst s0;
	s0 =	simm.s32 @!p2 $0x0  }
0x16: {  	s3 =	sld [smem:$0x3FDB];
	s0 =	simm.s32 @p2 $0x1  }
0x17: {  	s4 =	simm.s32 $0x1BF5;
	[smem:$0x3FB9] =	sst s0  }
0x18: {  	s0 =	sld [smem:$0x3F9C];
	_ =	swait.ge [sflag:s4], $0x0  }
0x19: {  	s7 =	sld [smem:$0x3F9D]  }
0x1a: {  	s8 =	sadd.s32 $0xFFFFE003, lr  }
0x1b: {  	s9 =	sadd.s32 $0xFFFFFEF7, lr;
	s5 =	simm.s32 $0xFFFFFFFF;
	p2 =	slt.u32 s8, $0xFFFFF086  }
0x1c: {  	p1 =	slt.u32 s9, $0xF7A;
	s5 =	simm.s32 @!p2 $0x0  }
0x1d: {  	s5 =	simm.s32 @p1 $0x1;
	p0 =	seq.s32 s7, s2  }
0x1e: {  	s7 =	smul.u32 @!p0 $0xF7A, s2;
	p2 =	seq.s32 @!p0 s5, $0x0  }
0x1f: {  	s9 =	smul.u32 $0xF7A, s1;
	s8 =	simm.s32 @!p0 $0x1BF5;
	p2 =	por !p2, p0  }
0x20: {  	[sflag:s8] =	ssyncset.s32 @!p0 $0xFFFFF086;
	s6 =	sadd.s32 @!p0 s3, s7;
	s7 =	simm.s32 @!p0 $0x108  }
0x21: {  	s3 =	sadd.s32 s3, s9;
	s6 =	sadd.s32 @!p0 $0x88, s6;
	s7 =	simm.s32 @p2 $0x1082  }
0x22: {  	[simem:s7], [sflag:s8] =	dma.local @!p0 [hbm:s6], $0xF7A  }
0x23: {  	s9 =	sor.u32 $0xD0000000, s2;
	s6 =	simm.s32 $0x108;
	_ =	swait.ge @!p0 [sflag:s8], $0x0  }
0x24: {  	s3 =	sadd.s32 $0x88, s3;
	s6 =	simm.s32 @!p1 $0x1082;
	[sflag:s4] =	ssyncset.s32 $0xFFFFF086  }
0x25: {  	[simem:s6], [sflag:s4] =	dma.local [hbm:s3], $0xF7A  }
0x26: {  	[smem:$0x3F9D] =	sst s1;
	(tag) =	ssettag s2;
	_ =	strace s9  }
0x27: {  	s1 =	sld [smem:$0x3FAD]  }
0x28: {  	s2 =	sld [smem:$0x3FAE]  }
0x29: {  	s4 =	sld [smem:$0x3FB0]  }
0x2a: {  	p0 =	seq.s32 s5, $0x0;
	s5 =	sld [smem:$0x3FB1]  }
0x2b: {  	s6 =	sld [smem:$0x3FB2]  }
0x2c: {  	s7 =	sld [smem:$0x3FB3]  }
0x2d: {  	s3 =	simm.s32 $0x108;
	s8 =	sld [smem:$0x3FB4]  }
0x2e: {  	s3 =	simm.s32 @!p0 $0x1082;
	s9 =	sld [smem:$0x3FB5]  }
0x2f: {  	lr =	sadd.s32 s0, s3;
	s0 =	sld [smem:$0x3FAC]  }
0x30: {  	s3 =	sld [smem:$0x3FAF]  }
0x31: {  	[smem:$0x3FB8] =	sst s10  }
0x32: {  	s10 =	sld [smem:$0x3FB6];
	_ =	sdelay $0x3  }
0x33: {  	p0 =	seq.s32 s10, $0x1;
	s10 =	sld [smem:$0x3FB8];
	_ =	sdelay $0x3  }
0x34: {  	[smem:$0x3FB8] =	sst s10  }
0x35: {  	s10 =	sld [smem:$0x3FB7];
	_ =	sdelay $0x3  }
0x36: {  	p1 =	seq.s32 s10, $0x1;
	s10 =	sld [smem:$0x3FB8];
	_ =	sdelay $0x3  }
0x37: {  	[smem:$0x3FB8] =	sst s10  }
0x38: {  	s10 =	sld [smem:$0x3FB9]  }
0x39: {  	_ = 	snop;
	(pc) =	sbr.ind lr, $3  }
0x3a: {  	_ = 	snop  }
0x3b: {  	_ = 	snop  }
0x3c: {  	p2 =	seq.s32 s10, $0x1;
	s10 =	sld [smem:$0x3FB8]  }
0x3d: {  	_ =	shalt  }
0x3e: {  	_ =	shalt  }
0x3f: {  	_ =	shalt  }
0x40: {  	_ =	shalt  }
0x41: {  	_ =	shalt  }
0x42: {  	_ =	shalt  }
0x43: {  	_ =	shalt  }
0x44: {  	_ =	shalt  }
0x45: {  	_ =	shalt  }
0x46: {  	_ =	shalt  }
0x47: {  	_ =	shalt  }
0x48: {  	_ =	shalt  }
0x49: {  	_ =	shalt  }
0x4a: {  	_ =	shalt  }
0x4b: {  	_ =	shalt  }
0x4c: {  	_ =	shalt  }
0x4d: {  	_ =	shalt  }
0x4e: {  	_ =	shalt  }
0x4f: {  	_ =	shalt  }
0x50: {  	_ =	shalt  }
0x51: {  	_ =	shalt  }
0x52: {  	_ =	shalt  }
0x53: {  	_ =	shalt  }
0x54: {  	_ =	shalt  }
0x55: {  	_ =	shalt  }
0x56: {  	_ =	shalt  }
0x57: {  	_ =	shalt  }
0x58: {  	_ =	shalt  }
0x59: {  	_ =	shalt  }
0x5a: {  	_ =	shalt  }
0x5b: {  	_ =	shalt  }
0x5c: {  	_ =	shalt  }
0x5d: {  	_ =	shalt  }
0x5e: {  	_ =	shalt  }
0x5f: {  	_ =	shalt  }
0x60: {  	_ =	shalt  }
0x61: {  	_ =	shalt  }
0x62: {  	_ =	shalt  }
0x63: {  	_ =	shalt  }
0x64: {  	_ =	shalt  }
0x65: {  	_ =	shalt  }
0x66: {  	_ =	shalt  }
0x67: {  	_ =	shalt  }
0x68: {  	_ =	shalt  }
0x69: {  	_ =	shalt  }
0x6a: {  	_ =	shalt  }
0x6b: {  	_ =	shalt  }
0x6c: {  	_ =	shalt  }
0x6d: {  	_ =	shalt  }
0x6e: {  	_ =	shalt  }
0x6f: {  	_ =	shalt  }
0x70: {  	_ =	shalt  }
0x71: {  	_ =	shalt  }
0x72: {  	_ =	shalt  }
0x73: {  	_ =	shalt  }
0x74: {  	_ =	shalt  }
0x75: {  	_ =	shalt  }
0x76: {  	_ =	shalt  }
0x77: {  	_ =	shalt  }
0x78: {  	_ =	shalt  }
0x79: {  	_ =	shalt  }
0x7a: {  	_ =	shalt  }
0x7b: {  	_ =	shalt  }
0x7c: {  	_ =	shalt  }
0x7d: {  	_ =	shalt  }
0x7e: {  	_ =	shalt  }
0x7f: {  	_ =	shalt  }
0x80: {  	_ =	shalt  }
0x81: {  	_ =	shalt  }
0x82: {  	_ =	shalt  }
0x83: {  	_ =	shalt  }
0x84: {  	_ =	shalt  }
0x85: {  	_ =	shalt  }
0x86: {  	_ =	shalt  }
0x87: {  	_ =	shalt  }
.Lfunc_end0:
.L_simem_size_0:
called_computation_lowered:
.L_overlay_start_0:
0x88: {  	s2 =	sld [smem:$0x3FD9]  }
0x89: {  	s3 =	sld [smem:$0x3FFE];
	_ =	sdelay $0x1  }
0x8a: {  	s1 =	srdreg.scid  }
0x8b: {  	s0 =	sand.u32 $0x1, s1  }
0x8c: {  	s14 =	sshll.u32 s0, $0xA;
	s2 =	sadd.s32 s3, s2  }
0x8d: {  	s2 =	sadd.s32 s2, s14  }
0x8e: {  	[smem:$0x3FC4] =	sst s2  }
0x8f: {  	_ = 	snop  }
0x90: {  	s2 =	sld [smem:$0x3FD0];
	_ =	sdelay $0x1  }
0x91: {  	s15 =	sld [smem:$0x3FC7]  }
0x92: {  	s5 =	simm.s32 $0xA;
	s6 =	simm.s32 $0x10;
	s4 =	sld [smem:$0x3FC6]  }
0x93: {  	[smem:s6], [sflag:s5] =	dma.local [hbm:s2], $0x1  }
0x94: {  	_ =	swait.eq [sflag:s5], $0x1  }
0x95: {  	[sflag:s5] =	ssyncset.done $0x0  }
0x96: {  	[sflag:s5] =	ssyncadd.s32 $0xFFFFFFFF  }
0x97: {  	s16 =	sld [smem:$0x10];
	(tm) =	ssettm $0x1  }
0x98: {  	s17 =	sld [smem:$0x3FFB];
	_ =	sdelay $0x3  }
0x99: {  	_ =	strace s17  }
0x9a: {  	s5 =	sld [smem:$0x3FFC];
	_ =	sdelay $0x3  }
0x9b: {  	_ =	strace s5  }
0x9c: {  	s5 =	sld [smem:$0x3FFD];
	_ =	sdelay $0x3  }
0x9d: {  	_ =	strace s5  }
0x9e: {  	_ =	strace $0x8FFFFFFF  }
0x9f: {  	s18 =	sld [smem:$0x3FDB];
	_ =	sdelay $0x1  }
0xa0: {  	s19 =	simm.s32 $_scs_section_size  }
0xa1: {  	s7 =	simm.s32 $_size__tile_overlayer_lowered;
	s8 =	simm.s32 $_tile_overlayer_lowered  }
0xa2: {  	s22 =	simm.s32 $0x1BFF;
	s21 =	sshll.u32 s8, $0x1;
	s5 =	sadd.s32 s19, s18  }
0xa3: {  	s9 =	simm.s32 $0x0;
	s20 =	sshll.u32 s7, $0x1;
	s7 =	sadd.s32 s21, s5  }
0xa4: {  	[timem:s9], [sflag:s22] =	dma.local [hbm:s7], s20  }
0xa5: {  	_ =	swait.ge [sflag:s22], s20  }
0xa6: {  	s6 =	ssub.s32 $0x0, s20;
	[sflag:s22] =	ssyncset.done $0x0  }
0xa7: {  	[sflag:s22] =	ssyncadd.s32 s6;
	_ =	sdelay $0x1  }
0xa8: {  	s23 =	simm.s32 $0x1B8B  }
0xa9: {  	_ =	swait.ge [sflag:s23], $0x1  }
0xaa: {  	[sflag:s23] =	ssyncset.done $0x0  }
0xab: {  	s25 =	simm.s32 $0x1B8E;
	s24 =	sld [smem:$0x3FFE];
	[sflag:s23] =	ssyncadd.s32 $0xFFFFFFFF  }
0xac: {  	s26 =	simm.s32 $execute0_lowered;
	[smem:$0x3FD2] =	sst s25  }
0xad: {  	s7 =	sshll.u32 s26, $0x1;
	_ =	strace $0x80000046;
	[dreg:$0x1] =	wrdreg $0xFFFFFFFF  }
0xae: {  	s28 =	simm.s32 $_size_execute0_lowered;
	s5 =	sadd.s32 s5, s7;
	[dreg:$0x0] =	wrdreg $0x0  }
0xaf: {  	s7 =	sshll.u32 s28, $0x1;
	[dreg:$0x2] =	wrdreg s5  }
0xb0: {  	[dreg:$0x3] =	wrdreg s7  }
0xb1: {  	[dreg:$0x4] =	wrdreg $0xC0  }
0xb2: {  	_ =	task [dreg:s9], $0x5FFFF  }
0xb3: {  	[dreg:$0x1] =	wrdreg $0xFFFFFFFF  }
0xb4: {  	[dreg:$0x0] =	wrdreg $0x60  }
0xb5: {  	[dreg:$0x2] =	wrdreg s24  }
0xb6: {  	[dreg:$0x3] =	wrdreg s15  }
0xb7: {  	[dreg:$0x4] =	wrdreg s4  }
0xb8: {  	[dreg:$0x5] =	wrdreg s16  }
0xb9: {  	[dreg:$0x6] =	wrdreg $0x150000  }
0xba: {  	[dreg:$0x7] =	wrdreg $0x9  }
0xbb: {  	_ =	task.clear_ibuf [dreg:s9], $0x8FFFF;
	_ =	strace $0x90000046  }
0xbc: {  	s29 =	simm.s32 $0x9;
	_ =	strace $0x80000048  }
0xbd: {  	_ =	swait.ge [sflag:s29], $0x1  }
0xbe: {  	[sflag:s29] =	ssyncadd.s32 $0xFFFFFFFF  }
0xbf: {  	_ =	strace $0x90000048  }
0xc0: {  	_ =	sfence  }
0xc1: {  	s30 =	sld [smem:$0x0];
	_ =	sdelay $0x2  }
0xc2: {  	s31 =	sshll.u32 s1, $0xD;
	s1 =	sshrl.u32 s1, $0x2  }
0xc3: {  	s3 =	sand.u32 $0x4000, s31;
	s1 =	sadd.s32 s1, s30  }
0xc4: {  	s0 =	sor.u32 s3, s0;
	s1 =	sshll.u32 s1, $0x11  }
0xc5: {  	s0 =	sor.u32 s1, s0  }
0xc6: {  	s0 =	sadd.s32 $0x8F2B, s0  }
0xc7: {  	[sflag:s0] =	ssyncadd.remote.s32 $0x1  }
0xc8: {  	_ =	sfence.sel $0xFFFF  }
0xc9: {  	[dreg:$0x0] =	wrdreg $0xFFFFFFFF;
	(pc) =	sbr.abs _section_cstart, $3  }
0xca: {  	[dreg:$0x1] =	wrdreg $0xFFFFFFFF  }
0xcb: {  	_ =	task.clear_ibuf [dreg:s9], $0x2FFFF;
	_ =	strace $0x9FFFFFFF  }
0xcc: {  	(tm) =	ssettm $0x7FFFFFFF  }
0xcd: {  	_ =	shalt  }
tec
execute0_lowered:
.L_overlay_start_1:
0x0: {  	(tag) =	ssettag $0x1  }
0x1: {  	s0 =	rddreg [dreg:$0x0]  }
0x2: {  	s1 =	rddreg [dreg:$0x1]  }
0x3: {  	s2 =	rddreg [dreg:$0x3]  }
0x4: {  	s3 =	rddreg [dreg:$0x4]  }
0x5: {  	s5 =	srdreg.scid;
	s6 =	stileid.u32  }
0x6: {  	s4 =	simm.s32 $0x0;
	s14 =	simm.s32 $0x1000;
	s15 =	simm.s32 $0x5000  }
0x7: {  	s16 =	simm.s32 $0x9000;
	s17 =	simm.s32 $0xD000;
	s18 =	simm.s32 $0x80  }
0x8: {  	s19 =	simm.s32 $0x11000;
	s20 =	simm.s32 $0x1;
	s21 =	simm.s32 $0x2  }
0x9: {  	s22 =	simm.s32 $0x3;
	s28 =	simm.s32 $0x8;
	s29 =	simm.s32 $0x9  }
0xa: {  	s30 =	simm.s32 $0xA;
	s13 =	simm.s32 $0xE;
	s5 =	sand.u32 $0x1, s5  }
0xb: {  	s7 =	sshll.u32 s6, $0x1;
	[smem:$0x7FF] =	sst s4;
	s10 =	smul.u32 $0x14000, s6  }
0xc: {  	s8 =	sadd.s32 $0x800, s0;
	s0 =	sadd.s32 $0x28800, s0;
	s24 =	smul.u32 $0xC8000, s6  }
0xd: {  	p0 =	sne.s32 s6, $0x0;
	s6 =	simm.s32 $0x0;
	s12 =	smul.u32 $0xA000, s5  }
0xe: {  	s7 =	sor.u32 s5, s7;
	s9 =	ssub.s32 $0x2, s5;
	s5 =	smul.u32 $0x64000, s5  }
0xf: {  	_ =	strace $0x80000047;
	s7 =	smul.u32 $0xA000, s7;
	s11 =	sshrl.u32 s9, $0x1  }
0x10: {  	s2 =	sadd.s32 s24, s2;
	s24 =	simm.s32 $0x5;
	s9 =	ssub.s32 s9, s11  }
0x11: {  	s25 =	sadd.s32 s12, s10;
	s2 =	sadd.s32 s5, s2;
	s7 =	sshrl.u32 s7, $0x3  }
0x12: {  	[dreg:$0x9] =	wrdreg s2;
	s23 =	sadd.s32 s8, s7;
	s7 =	sadd.s32 s0, s7  }
0x13: {  	s9 =	smax.u32 s9, $0x1;
	[dreg:$0x7] =	wrdreg s7;
	s7 =	sor.u32 $0x400, s25  }
.Ltmp0:
0x14: {  	[dreg:$0x8] =	wrdreg s9;
	s26 =	sshrl.u32 s7, $0x3;
	(pc) =	sbr.rel .LBB2_1-.Ltmp0, $4  }
0x15: {  	s5 =	simm.s32 $0xF;
	[dreg:$0x6] =	wrdreg s23;
	s0 =	sadd.s32 s26, s0  }
0x16: {  	s2 =	simm.s32 $0xD;
	s31 =	sadd.s32 s26, s8;
	[dreg:$0xa] =	wrdreg s0  }
0x17: {  	s23 =	simm.s32 $0x4;
	[dreg:$0xb] =	wrdreg s31;
	s0 =	sshrl.u32 @!p0 s3, $0x3  }
0x18: {  	s25 =	simm.s32 $0x6;
	s26 =	simm.s32 $0x7;
	[dreg:$0xc] =	wrdreg s0  }
.LBB2_6:
0x19: {  	s0 =	simm.s32 $0xB  }
0x1a: {  	_ =	swait.ge [sflag:s0], $0x4000  }
0x1b: {  	[sflag:s0] =	ssyncset.done $0x0  }
0x1c: {  	s12 =	simm.s32 $0xC;
	[sflag:s0] =	ssyncadd.s32 $0xFFFFC000  }
0x1d: {  	_ =	swait.ge [sflag:s12], $0x4000  }
0x1e: {  	[sflag:s12] =	ssyncset.done $0x0  }
0x1f: {  	[sflag:s12] =	ssyncadd.s32 $0xFFFFC000  }
0x20: {  	_ =	swait.ge [sflag:s2], $0x4000  }
0x21: {  	[sflag:s2] =	ssyncset.done $0x0  }
0x22: {  	[sflag:s2] =	ssyncadd.s32 $0xFFFFC000  }
0x23: {  	_ =	swait.ge [sflag:s13], $0x4000  }
0x24: {  	[sflag:s13] =	ssyncset.done $0x0  }
0x25: {  	[sflag:s13] =	ssyncadd.s32 $0xFFFFC000  }
0x26: {  	_ =	swait.ge [sflag:s5], $0x4000  }
0x27: {  	s6 =	rddreg [dreg:$0xd]  }
0x28: {  	s31 =	rddreg [dreg:$0x8];
	s6 =	sadd.s32 $0x1, s6  }
0x29: {  	p1 =	sne.s32 s6, s31  }
.Ltmp1:
0x2a: {  	_ = 	snop;
	(pc) =	sbr.rel @!p1 .LBB2_7-.Ltmp1, $3  }
0x2b: {  	_ =	sdelay $0x1  }
0x2c: {  	[sflag:s5] =	ssyncset.done $0x0  }
0x2d: {  	[sflag:s5] =	ssyncadd.s32 $0xFFFFC000  }
.LBB2_1:
0x2e: {  	[dreg:$0xd] =	wrdreg s6  }
0x2f: {  	s0 =	rddreg [dreg:$0x2]  }
0x30: {  	s6 =	simm.s32 @!p0 $0x1C12;
	s7 =	rddreg [dreg:$0xc]  }
0x31: {  	[spmem:s7], [sflag:s6] =	dma.local @!p0 [hbm:s0], $0xC90  }
0x32: {  	s6 =	simm.s32 @!p0 $0x12  }
0x33: {  	_ =	swait.ge @!p0 [sflag:s6], $0xC90  }
0x34: {  	[sflag:s6] =	ssyncset.done @!p0 $0x0  }
0x35: {  	s11 =	simm.s32 $0x12;
	s10 =	rddreg [dreg:$0x6];
	[sflag:s6] =	ssyncadd.s32 @!p0 $0xFFFFF370  }
0x36: {  	[tilespmem:s4], [sflag:$0x12] =	stream.linear.gather [hbm4b:s10+s4], $0x280, $0x38;
	[tilespmem:$0x15648] =	vst v63  }
0x37: {  	_ =	swait.ge [sflag:s11], $0x280  }
0x38: {  	[sflag:s11] =	ssyncset.done $0x0  }
0x39: {  	s31 =	simm.s32 $0x800;
	s12 =	rddreg [dreg:$0x7];
	[sflag:s11] =	ssyncadd.s32 $0xFFFFFD80  }
0x3a: {  	[tilespmem:s31], [sflag:$0x12] =	stream.linear.gather [hbm4b:s12+s4], $0x280, $0x38;
	[tilespmem:$0x15648] =	vst v63  }
0x3b: {  	_ =	swait.ge [sflag:s11], $0x280  }
.Ltmp2:
0x3c: {  	[sflag:s11] =	ssyncset.done $0x0;
	(pc) =	sbr.rel .LBB2_2-.Ltmp2, $4  }
0x3d: {  	[sflag:s11] =	ssyncadd.s32 $0xFFFFFD80  }
0x3e: {  	[bflag:$0x0] =	sbarrier.arrive $0xFFFF  }
0x3f: {  	s10 =	rddreg [dreg:$0xb]  }
0x40: {  	s7 =	simm.s32 $0x0;
	s11 =	simm.s32 $0x0;
	s9 =	rddreg [dreg:$0xa]  }
.LBB2_4:
0x41: {  	s0 =	simm.s32 $0xB  }
0x42: {  	_ =	swait.ge [sflag:s0], $0x4000  }
0x43: {  	[sflag:s0] =	ssyncset.done $0x0  }
0x44: {  	s12 =	simm.s32 @p1 $0x400;
	s8 =	simm.s32 $0xC;
	[sflag:s0] =	ssyncadd.s32 $0xFFFFC000  }
0x45: {  	[tilespmem:s14], [sflag:$0x1] =	stream.indirect.gather [hbm4b:s1+s18], $0x80, s12, s18, $0xb8;
	[tilespmem:$0x15648] =	vst v63  }
0x46: {  	_ =	swait.ge [sflag:s8], $0x4000  }
0x47: {  	[sflag:s8] =	ssyncset.done $0x0  }
0x48: {  	s6 =	sor.u32 $0x80, s12;
	[sflag:s8] =	ssyncadd.s32 $0xFFFFC000  }
0x49: {  	[tilespmem:s15], [sflag:$0x2] =	stream.indirect.gather [hbm4b:s1+s18], $0x80, s6, s18, $0xb8;
	[tilespmem:$0x15648] =	vst v63  }
0x4a: {  	_ =	swait.ge [sflag:s2], $0x4000  }
0x4b: {  	[sflag:s2] =	ssyncset.done $0x0  }
0x4c: {  	s8 =	sor.u32 $0x100, s12;
	[sflag:s2] =	ssyncadd.s32 $0xFFFFC000  }
0x4d: {  	[tilespmem:s16], [sflag:$0x3] =	stream.indirect.gather [hbm4b:s1+s18], $0x80, s8, s18, $0xb8;
	[tilespmem:$0x15648] =	vst v63  }
0x4e: {  	_ =	swait.ge [sflag:s13], $0x4000  }
0x4f: {  	[sflag:s13] =	ssyncset.done $0x0  }
0x50: {  	s31 =	sor.u32 $0x180, s12;
	[sflag:s13] =	ssyncadd.s32 $0xFFFFC000  }
0x51: {  	[tilespmem:s17], [sflag:$0x4] =	stream.indirect.gather [hbm4b:s1+s18], $0x80, s31, s18, $0xb8;
	[tilespmem:$0x15648] =	vst v63  }
0x52: {  	_ =	swait.ge [sflag:s5], $0x4000  }
0x53: {  	[sflag:s5] =	ssyncset.done $0x0  }
0x54: {  	[sflag:s5] =	ssyncadd.s32 $0xFFFFC000  }
.LBB2_5:
0x55: {  	s0 =	sor.u32 $0x200, s12  }
0x56: {  	[tilespmem:s19], [sflag:$0x5] =	stream.indirect.gather [hbm4b:s1+s18], $0x80, s0, s18, $0xb8;
	[tilespmem:$0x15648] =	vst v63  }
0x57: {  	_ =	swait.ge [sflag:s20], $0x4000  }
0x58: {  	[sflag:s20] =	ssyncset.done $0x0  }
0x59: {  	s0 =	sor.u32 $0x800, s12;
	[sflag:s20] =	ssyncadd.s32 $0xFFFFC000  }
0x5a: {  	[tilespmem:s14], [sflag:$0x6] =	stream.indirect.gather.add.f32 [spmem:s3], $0x80, s0, s18, $0xb8;
	[tilespmem:$0x15648] =	vst v63  }
0x5b: {  	_ =	swait.ge [sflag:s21], $0x4000  }
0x5c: {  	[sflag:s21] =	ssyncset.done $0x0  }
0x5d: {  	s6 =	sor.u32 $0x800, s6;
	[sflag:s21] =	ssyncadd.s32 $0xFFFFC000  }
0x5e: {  	[tilespmem:s15], [sflag:$0x7] =	stream.indirect.gather.add.f32 [spmem:s3], $0x80, s6, s18, $0xb8;
	[tilespmem:$0x15648] =	vst v63  }
0x5f: {  	_ =	swait.ge [sflag:s22], $0x4000  }
0x60: {  	[sflag:s22] =	ssyncset.done $0x0  }
0x61: {  	s6 =	sor.u32 $0x800, s8;
	[sflag:s22] =	ssyncadd.s32 $0xFFFFC000  }
0x62: {  	[tilespmem:s16], [sflag:$0x8] =	stream.indirect.gather.add.f32 [spmem:s3], $0x80, s6, s18, $0xb8;
	[tilespmem:$0x15648] =	vst v63  }
0x63: {  	_ =	swait.ge [sflag:s23], $0x4000  }
0x64: {  	[sflag:s23] =	ssyncset.done $0x0  }
0x65: {  	s8 =	sor.u32 $0x800, s31;
	[sflag:s23] =	ssyncadd.s32 $0xFFFFC000  }
0x66: {  	[tilespmem:s17], [sflag:$0x9] =	stream.indirect.gather.add.f32 [spmem:s3], $0x80, s8, s18, $0xb8;
	[tilespmem:$0x15648] =	vst v63  }
0x67: {  	_ =	swait.ge [sflag:s24], $0x4000  }
0x68: {  	[sflag:s24] =	ssyncset.done $0x0  }
0x69: {  	s31 =	sor.u32 $0xA00, s12;
	[sflag:s24] =	ssyncadd.s32 $0xFFFFC000  }
0x6a: {  	[tilespmem:s19], [sflag:$0xA] =	stream.indirect.gather.add.f32 [spmem:s3], $0x80, s31, s18, $0xb8;
	[tilespmem:$0x15648] =	vst v63  }
0x6b: {  	_ =	swait.ge [sflag:s25], $0x4000  }
0x6c: {  	[sflag:s25] =	ssyncset.done $0x0;
	s6 =	rddreg [dreg:$0x9]  }
0x6d: {  	[sflag:s25] =	ssyncadd.s32 $0xFFFFC000;
	s0 =	sadd.s32 s11, s6  }
0x6e: {  	[hbm4b:s0+s4] =	stream.linear.scatter [tilespmem:s14], [sflag:$0xB], $0x4000, $0x38;
	[tilespmem:$0x15648] =	vst v63  }
0x6f: {  	_ =	swait.ge [sflag:s26], $0x4000  }
0x70: {  	[sflag:s26] =	ssyncset.done $0x0  }
0x71: {  	s8 =	sadd.s32 $0x800, s0;
	[sflag:s26] =	ssyncadd.s32 $0xFFFFC000  }
0x72: {  	[hbm4b:s8+s4] =	stream.linear.scatter [tilespmem:s15], [sflag:$0xC], $0x4000, $0x38;
	[tilespmem:$0x15648] =	vst v63  }
0x73: {  	_ =	swait.ge [sflag:s28], $0x4000  }
0x74: {  	[sflag:s28] =	ssyncset.done $0x0  }
0x75: {  	s12 =	sadd.s32 $0x1000, s0;
	[sflag:s28] =	ssyncadd.s32 $0xFFFFC000  }
0x76: {  	[hbm4b:s12+s4] =	stream.linear.scatter [tilespmem:s16], [sflag:$0xD], $0x4000, $0x38;
	[tilespmem:$0x15648] =	vst v63  }
0x77: {  	_ =	swait.ge [sflag:s29], $0x4000  }
0x78: {  	[sflag:s29] =	ssyncset.done $0x0  }
0x79: {  	s31 =	sadd.s32 $0x1800, s0;
	[sflag:s29] =	ssyncadd.s32 $0xFFFFC000  }
0x7a: {  	[hbm4b:s31+s4] =	stream.linear.scatter [tilespmem:s17], [sflag:$0xE], $0x4000, $0x38;
	[tilespmem:$0x15648] =	vst v63  }
0x7b: {  	_ =	swait.ge [sflag:s30], $0x4000  }
0x7c: {  	[sflag:s30] =	ssyncset.done $0x0  }
0x7d: {  	s11 =	sadd.s32 @!p1 $0x2800, s11;
	s0 =	sadd.s32 $0x2000, s0;
	[sflag:s30] =	ssyncadd.s32 $0xFFFFC000  }
0x7e: {  	[hbm4b:s0+s4] =	stream.linear.scatter [tilespmem:s19], [sflag:$0xF], $0x4000, $0x38;
	[tilespmem:$0x15648] =	vst v63  }
0x7f: {  	p2 =	sne.s32 @!p1 s11, $0x64000;
	s0 =	simm.s32 @!p1 $0x10  }
0x80: {  	p2 =	por p1, !p2;
	_ =	swait.ge @!p1 [sflag:s0], $0x280  }
.Ltmp3:
0x81: {  	[sflag:s0] =	ssyncset.done @!p1 $0x0;
	(pc) =	sbr.rel @p2 .LBB2_6-.Ltmp3, $4  }
0x82: {  	[sflag:s0] =	ssyncadd.s32 @!p1 $0xFFFFFD80;
	s0 =	simm.s32 @!p1 $0x11  }
0x83: {  	_ =	swait.ge @!p1 [sflag:s0], $0x280  }
0x84: {  	s7 =	sadd.s32 @!p1 $0x400, s7;
	[sflag:s0] =	ssyncset.done @!p1 $0x0  }
0x85: {  	s9 =	sadd.s32 @!p1 $0x80, s9;
	s10 =	sadd.s32 @!p1 $0x80, s10;
	[sflag:s0] =	ssyncadd.s32 @!p1 $0xFFFFFD80  }
.LBB2_2:
0x86: {  	p1 =	seq.s32 s11, $0x61800  }
0x87: {  	p2 =	sne.s32 @!p1 s11, $0x0  }
0x88: {  	p2 =	por p1, p2  }
.Ltmp4:
0x89: {  	s12 =	sand.u32 @!p1 $0x400, s7;
	(pc) =	sbr.rel @p2 .LBB2_4-.Ltmp4, $4  }
0x8a: {  	s8 =	simm.s32 @!p1 $0x0;
	s6 =	sxor.u32 @!p1 $0x400, s12  }
0x8b: {  	[tilespmem:s6], [sflag:$0x10] =	stream.linear.gather @!p1 [hbm4b:s10+s8], $0x280, $0x38;
	[tilespmem:$0x15648] =	vst v63  }
0x8c: {  	s6 =	sxor.u32 @!p1 $0xC00, s12  }
0x8d: {  	[tilespmem:s6], [sflag:$0x11] =	stream.linear.gather @!p1 [hbm4b:s9+s8], $0x280, $0x38;
	[tilespmem:$0x15648] =	vst v63  }
0x8e: {  	s6 =	simm.s32 $0x80;
	s12 =	simm.s32 $0x0  }
0x8f: {  	[tilespmem:s14], [sflag:$0x1] =	stream.indirect.gather [hbm4b:s1+s6], $0x80, s12, s6, $0xb8;
	[tilespmem:$0x15648] =	vst v63  }
0x90: {  	_ = 	snop  }
0x91: {  	[tilespmem:s15], [sflag:$0x2] =	stream.indirect.gather [hbm4b:s1+s6], $0x80, s6, s6, $0xb8;
	[tilespmem:$0x15648] =	vst v63  }
.Ltmp5:
0x92: {  	_ = 	snop;
	(pc) =	sbr.rel .LBB2_5-.Ltmp5, $4  }
0x93: {  	s8 =	simm.s32 $0x100  }
0x94: {  	[tilespmem:s16], [sflag:$0x3] =	stream.indirect.gather [hbm4b:s1+s6], $0x80, s8, s6, $0xb8;
	[tilespmem:$0x15648] =	vst v63  }
0x95: {  	s31 =	simm.s32 $0x180  }
0x96: {  	[tilespmem:s17], [sflag:$0x4] =	stream.indirect.gather [hbm4b:s1+s6], $0x80, s31, s6, $0xb8;
	[tilespmem:$0x15648] =	vst v63  }
.LBB2_7:
0x97: {  	_ =	sfence.sel $0x180000  }
0x98: {  	[bflag:$0x0] =	sbarrier.arrive $0xFFFF  }
0x99: {  	_ =	strace $0x90000047  }
0x9a: {  	[bflag:$0x2] =	sbarrier.arrive $0xFFFF  }
0x9b: {  	s0 =	rddreg [dreg:$0x5]  }
0x9c: {  	s0 =	sadd.s32 @!p0 $0x100000, s0  }
0x9d: {  	[sflag:s0] =	ssyncadd.tile.s32 @!p0 $0x1;
	_ =	shalt  }
.Lfunc_end2:
_tile_overlayer_lowered:
.L_overlay_start_2:
0x9e: {  	(tag) =	ssettag $0x2  }
0x9f: {  	s0 =	rddreg [dreg:$0x0];
	s2 =	stileid.u32  }
0xa0: {  	s1 =	rddreg [dreg:$0x1];
	p0 =	sne.s32 s2, $0x0  }
0xa1: {  	s3 =	rddreg [dreg:$0x2];
	[bflag:$0x3] =	sbarrier.arrive $0xFFFF;
	s2 =	simm.s32 @!p0 $0x1C12  }
0xa2: {  	[timem:s3], [sflag:s2] =	dma.local @!p0 [hbm:s0], s1  }
0xa3: {  	s0 =	simm.s32 @!p0 $0x12  }
0xa4: {  	_ =	swait.ge @!p0 [sflag:s0], s1  }
0xa5: {  	s1 =	ssub.s32 @!p0 $0x0, s1;
	[sflag:s0] =	ssyncset.done @!p0 $0x0  }
0xa6: {  	[sflag:s0] =	ssyncadd.s32 @!p0 s1  }
0xa7: {  	[bflag:$0x3] =	sbarrier.arrive $0xFFFF  }
0xa8: {  	_ =	shalt  }

</sc_bundles>
